<compile_context>
chip_gen: v7x
topology: tpu7x:2x2x1
jax: 0.10.2.dev20260603
libtpu: 0.0.44.dev20260713+nightly
codegen_flags: <defaults>
</compile_context>

<pallas_src>
import functools

import jax
import jax.numpy as jnp
from jax import lax
from jax.experimental import pallas as pl
from jax.experimental.pallas import tpu as pltpu
from jax.experimental.pallas import tpu_sc as plsc

N_NODES = 10000
DIM = 128
N_EDGES = 320000

L = 16
NC = 2
NS = 16
NW = NC * NS
DPT = DIM // NW
PPT = DPT // 2
CHUNK = 8000
NCHUNK = N_EDGES // CHUNK
NBLK = CHUNK // L

_mesh = plsc.VectorSubcoreMesh(core_axis_name="c", subcore_axis_name="s")


@functools.partial(
    pl.kernel,
    mesh=_mesh,
    out_type=jax.ShapeDtypeStruct((DIM * N_NODES,), jnp.float32),
    compiler_params=pltpu.CompilerParams(needs_layout_passes=False),
    scratch_types=(
        [pltpu.VMEM((N_NODES,), jnp.int32) for _ in range(PPT)]
        + [pltpu.VMEM((N_NODES,), jnp.float32) for _ in range(DPT)]
        + [
            pltpu.VMEM((CHUNK,), jnp.int32),
            pltpu.VMEM((CHUNK,), jnp.float32),
            pltpu.VMEM((CHUNK,), jnp.int32),
            pltpu.VMEM((CHUNK,), jnp.float32),
            pltpu.SemaphoreType.DMA,
            pltpu.SemaphoreType.DMA,
            pltpu.SemaphoreType.DMA,
        ]
    ),
)
def _sc_aggregate(rc, vals, hp, out,
                  t0, t1, a0, a1, a2, a3, rc0, val0, rc1, val1,
                  sem0, sem1, tsem):
    wid = lax.axis_index("s") * NC + lax.axis_index("c")
    pbase = wid * PPT * N_NODES
    tables = (t0, t1)
    accs = (a0, a1, a2, a3)
    acc_dims = [PPT * wid + p + (DIM // 2) * h for p in range(PPT) for h in range(2)]

    bufs = ((rc0, val0, sem0), (rc1, val1, sem1))

    def _start(c, bi):
        cb, vb, sem = bufs[bi]
        off = c * CHUNK
        pltpu.async_copy(rc.at[pl.ds(off, CHUNK)], cb, sem)
        pltpu.async_copy(vals.at[pl.ds(off, CHUNK)], vb, sem)

    def _wait(bi):
        cb, vb, sem = bufs[bi]
        pltpu.make_async_copy(rc.at[pl.ds(0, CHUNK)], cb, sem).wait()
        pltpu.make_async_copy(vals.at[pl.ds(0, CHUNK)], vb, sem).wait()

    tcopies = [
        pltpu.async_copy(hp.at[pl.ds(pbase + p * N_NODES, N_NODES)], tables[p], tsem)
        for p in range(PPT)
    ]
    _start(0, 0)

    zeros = jnp.zeros((L,), jnp.float32)

    @plsc.parallel_loop(0, N_NODES // L, 1, unroll=8)
    def _zero(i):
        for d in range(DPT):
            accs[d][pl.ds(i * L, L)] = zeros

    for c in tcopies:
        c.wait()

    lowmask = jnp.full((L,), 0x3FFF, jnp.int32)
    himask = jnp.full((L,), -65536, jnp.int32)

    def _process(bi):
        cb, vb, _ = bufs[bi]

        @plsc.parallel_loop(0, NBLK, 1, unroll=4)
        def _blk(b):
            s = b * L
            cr = cb[pl.ds(s, L)]
            vv = vb[pl.ds(s, L)]
            ci = cr & lowmask
            ri = lax.shift_right_logical(cr, 14)
            for p in range(PPT):
                g = plsc.load_gather(tables[p], [ci])
                glo = plsc.bitcast(lax.shift_left(g, 16), jnp.float32)
                ghi = plsc.bitcast(g & himask, jnp.float32)
                plsc.addupdate_scatter(accs[2 * p], [ri], glo * vv)
                plsc.addupdate_scatter(accs[2 * p + 1], [ri], ghi * vv)

    def _outer(cc, carry):
        c0 = cc * 2
        _start(c0 + 1, 1)
        _wait(0)
        _process(0)

        @pl.when(c0 + 2 < NCHUNK)
        def _():
            _start(c0 + 2, 0)

        _wait(1)
        _process(1)
        return carry

    lax.fori_loop(0, NCHUNK // 2, _outer, 0)

    for d in range(DPT):
        pltpu.sync_copy(accs[d], out.at[pl.ds(acc_dims[d] * N_NODES, N_NODES)])


def _pack_bf16_pair(ulo, uhi):
    plo = lax.shift_right_logical(ulo + jnp.uint32(0x8000), jnp.uint32(16))
    phi = (uhi + jnp.uint32(0x8000)) & jnp.uint32(0xFFFF0000)
    return lax.bitcast_convert_type(phi | plo, jnp.int32)


def _tc_linear_relu_packT(aggT, Wlo, Whi, blo, bhi):

    def body(agg_ref, wlo_ref, whi_ref, blo_ref, bhi_ref, out_ref):
        ylo = jnp.maximum(
            lax.dot_general(wlo_ref[...], agg_ref[...], (((1,), (0,)), ((), ())),
                            preferred_element_type=jnp.float32) + blo_ref[...], 0.0)
        yhi = jnp.maximum(
            lax.dot_general(whi_ref[...], agg_ref[...], (((1,), (0,)), ((), ())),
                            preferred_element_type=jnp.float32) + bhi_ref[...], 0.0)
        out_ref[...] = _pack_bf16_pair(
            lax.bitcast_convert_type(ylo, jnp.uint32),
            lax.bitcast_convert_type(yhi, jnp.uint32))

    return pl.pallas_call(
        body,
        out_shape=jax.ShapeDtypeStruct((DIM // 2, N_NODES), jnp.int32),
    )(aggT, Wlo, Whi, blo, bhi)


def _tc_linear_relu_final(aggT, W, b_row):

    def body(agg_ref, w_ref, b_ref, out_ref):
        acc = lax.dot_general(
            agg_ref[...], w_ref[...], (((0,), (1,)), ((), ())),
            preferred_element_type=jnp.float32)
        out_ref[...] = jnp.maximum(acc + b_ref[...], 0.0)

    return pl.pallas_call(
        body,
        out_shape=jax.ShapeDtypeStruct((N_NODES, DIM), jnp.float32),
    )(aggT, W, b_row)


def kernel(edge_index, adj_vals, emb, W1, b1, W2, b2):
    row = edge_index[0].astype(jnp.int32)
    col = edge_index[1].astype(jnp.int32)
    rc = (row << 14) | col

    u = lax.bitcast_convert_type(emb, jnp.uint32)
    hp1 = _pack_bf16_pair(u[:, :DIM // 2], u[:, DIM // 2:]).T

    agg1 = _sc_aggregate(rc, adj_vals, hp1.reshape(-1)).reshape(DIM, N_NODES)
    hp2 = _tc_linear_relu_packT(agg1, W1[:DIM // 2], W1[DIM // 2:],
                                b1[:DIM // 2].reshape(DIM // 2, 1),
                                b1[DIM // 2:].reshape(DIM // 2, 1))
    agg2 = _sc_aggregate(rc, adj_vals, hp2.reshape(-1)).reshape(DIM, N_NODES)
    out = _tc_linear_relu_final(agg2, W2, b2.reshape(1, DIM))
    return out

# --- scband reference (transcript-rebuilt; emitter-appended) ---
"""Pipeline reference for scband-tangent-gcn-81338090651948 (READ-ONLY COPY).

The authoritative reference and input builder live on the scoring server;
editing this copy changes nothing except your own understanding.
"""

import jax, jax.numpy as jnp
import numpy as np

NUM_NODES = 10000
DIM = 128
NUM_EDGES = 320000


def setup_inputs(seed: int = 0) -> dict:
    key = jax.random.key(seed)
    k1, k2, k3, k4, k5, k6, k7 = jax.random.split(key, 7)
    # sparse adjacency in COO form: adj[row, col] = adj_vals
    edge_index = jax.random.randint(k1, (2, NUM_EDGES), 0, NUM_NODES, dtype=jnp.int64)
    adj_vals = jax.random.uniform(k2, (NUM_EDGES,), dtype=jnp.float32)
    # learned parameters
    emb = jax.random.normal(k3, (NUM_NODES, DIM), dtype=jnp.float32) * 0.01
    lim = 1.0 / np.sqrt(DIM)
    W1 = jax.random.uniform(k4, (DIM, DIM), minval=-lim, maxval=lim, dtype=jnp.float32)
    b1 = jax.random.uniform(k5, (DIM,), minval=-lim, maxval=lim, dtype=jnp.float32)
    W2 = jax.random.uniform(k6, (DIM, DIM), minval=-lim, maxval=lim, dtype=jnp.float32)
    b2 = jax.random.uniform(k7, (DIM,), minval=-lim, maxval=lim, dtype=jnp.float32)
    return {"edge_index": edge_index, "adj_vals": adj_vals, "emb": emb,
            "W1": W1, "b1": b1, "W2": W2, "b2": b2}


def reference(edge_index, adj_vals, emb, W1, b1, W2, b2):
    # h = emb.weight; for each layer: h = sparse.mm(adj, h); h = Linear(h); h = relu(h)
    row = edge_index[0]
    col = edge_index[1]
    h = emb
    for W, b in ((W1, b1), (W2, b2)):
        # sparse.mm(adj, h): out[row] += adj_vals * h[col]
        msg = adj_vals[:, None] * jnp.take(h, col, axis=0)
        h = jax.ops.segment_sum(msg, row, num_segments=NUM_NODES)
        h = h @ W.T + b
        h = jax.nn.relu(h)
    # dropout=0.0 -> Identity
    return h

if __name__ == "__main__":
    import jax
    _d = setup_inputs()
    print(jax.jit(kernel)(*tuple(_d.values())))

</pallas_src>

<mosaic_0001>
#map = affine_map<(d0, d1) -> (0)>
module attributes {stable_mosaic.version = 14 : i64} {
  func.func @_sc_aggregate(%arg0: i32, %arg1: i32, %arg2: memref<320000xi32, #tpu.memory_space<hbm>>, %arg3: memref<320000xf32, #tpu.memory_space<hbm>>, %arg4: memref<640000xi32, #tpu.memory_space<hbm>>, %arg5: memref<1280000xf32, #tpu.memory_space<hbm>>, %arg6: memref<10000xi32, #tpu.memory_space<vmem>>, %arg7: memref<10000xi32, #tpu.memory_space<vmem>>, %arg8: memref<10000xf32, #tpu.memory_space<vmem>>, %arg9: memref<10000xf32, #tpu.memory_space<vmem>>, %arg10: memref<10000xf32, #tpu.memory_space<vmem>>, %arg11: memref<10000xf32, #tpu.memory_space<vmem>>, %arg12: memref<8000xi32, #tpu.memory_space<vmem>>, %arg13: memref<8000xf32, #tpu.memory_space<vmem>>, %arg14: memref<8000xi32, #tpu.memory_space<vmem>>, %arg15: memref<8000xf32, #tpu.memory_space<vmem>>, %arg16: memref<!tpu.dma_semaphore, #tpu.memory_space<semaphore_mem>>, %arg17: memref<!tpu.dma_semaphore, #tpu.memory_space<semaphore_mem>>, %arg18: memref<!tpu.dma_semaphore, #tpu.memory_space<semaphore_mem>>) attributes {dimension_semantics = [#tpu.dimension_semantics<core_parallel>, #tpu.dimension_semantics<subcore_parallel>], iteration_bounds = array<i64: 2, 16>, scalar_prefetch = 0 : i64, scratch_operands = 13 : i64, tpu.core_type = #tpu.core_type<sc_vector_subcore>, window_params = [{transform_indices = #map}, {transform_indices = #map}, {transform_indices = #map}, {transform_indices = #map}]} {
    %mul3A = arith.constant 2 : i32
    %mul3A_0 = arith.muli %arg1, %mul3A : i32
    %add3A = arith.addi %mul3A_0, %arg0 : i32
    %mul3A_1 = arith.constant 2 : i32
    %mul3A_2 = arith.muli %add3A, %mul3A_1 : i32
    %mul3A_3 = arith.constant 10000 : i32
    %mul3A_4 = arith.muli %mul3A_2, %mul3A_3 : i32
    %mul3A_5 = arith.constant 2 : i32
    %mul3A_6 = arith.muli %mul3A_5, %add3A : i32
    %add3A_7 = arith.constant 0 : i32
    %add3A_8 = arith.addi %mul3A_6, %add3A_7 : i32
    %add3A_9 = arith.constant 0 : i32
    %add3A_10 = arith.addi %add3A_8, %add3A_9 : i32
    %mul3A_11 = arith.constant 2 : i32
    %mul3A_12 = arith.muli %mul3A_11, %add3A : i32
    %add3A_13 = arith.constant 0 : i32
    %add3A_14 = arith.addi %mul3A_12, %add3A_13 : i32
    %add3A_15 = arith.constant 64 : i32
    %add3A_16 = arith.addi %add3A_14, %add3A_15 : i32
    %mul3A_17 = arith.constant 2 : i32
    %mul3A_18 = arith.muli %mul3A_17, %add3A : i32
    %add3A_19 = arith.constant 1 : i32
    %add3A_20 = arith.addi %mul3A_18, %add3A_19 : i32
    %add3A_21 = arith.constant 0 : i32
    %add3A_22 = arith.addi %add3A_20, %add3A_21 : i32
    %mul3A_23 = arith.constant 2 : i32
    %mul3A_24 = arith.muli %mul3A_23, %add3A : i32
    %add3A_25 = arith.constant 1 : i32
    %add3A_26 = arith.addi %mul3A_24, %add3A_25 : i32
    %add3A_27 = arith.constant 64 : i32
    %add3A_28 = arith.addi %add3A_26, %add3A_27 : i32
    %add3A_29 = arith.constant 0 : i32
    %add3A_30 = arith.addi %mul3A_4, %add3A_29 : i32
    %dma_start3A = tpu.memref_slice %arg4[%add3A_30] : memref<640000xi32, #tpu.memory_space<hbm>> -> memref<10000xi32, #tpu.memory_space<hbm>>
    %dma_start3A_31 = tpu.memref_slice %arg4[%add3A_30] : memref<640000xi32, #tpu.memory_space<hbm>> -> memref<10000xi32, #tpu.memory_space<hbm>>
    tpu.enqueue_dma source(%dma_start3A_31 : memref<10000xi32, #tpu.memory_space<hbm>>) target(%arg6 : memref<10000xi32, #tpu.memory_space<vmem>>) target_semaphore(%arg18 : memref<!tpu.dma_semaphore, #tpu.memory_space<semaphore_mem>>)
    %add3A_32 = arith.constant 10000 : i32
    %add3A_33 = arith.addi %mul3A_4, %add3A_32 : i32
    %dma_start3A_34 = tpu.memref_slice %arg4[%add3A_33] : memref<640000xi32, #tpu.memory_space<hbm>> -> memref<10000xi32, #tpu.memory_space<hbm>>
    %dma_start3A_35 = tpu.memref_slice %arg4[%add3A_33] : memref<640000xi32, #tpu.memory_space<hbm>> -> memref<10000xi32, #tpu.memory_space<hbm>>
    tpu.enqueue_dma source(%dma_start3A_35 : memref<10000xi32, #tpu.memory_space<hbm>>) target(%arg7 : memref<10000xi32, #tpu.memory_space<vmem>>) target_semaphore(%arg18 : memref<!tpu.dma_semaphore, #tpu.memory_space<semaphore_mem>>)
    %dma_start3A_36 = arith.constant 0 : i32
    %dma_start3A_37 = tpu.memref_slice %arg2[%dma_start3A_36] : memref<320000xi32, #tpu.memory_space<hbm>> -> memref<8000xi32, #tpu.memory_space<hbm>>
    %dma_start3A_38 = arith.constant 0 : i32
    %dma_start3A_39 = tpu.memref_slice %arg2[%dma_start3A_38] : memref<320000xi32, #tpu.memory_space<hbm>> -> memref<8000xi32, #tpu.memory_space<hbm>>
    tpu.enqueue_dma source(%dma_start3A_39 : memref<8000xi32, #tpu.memory_space<hbm>>) target(%arg12 : memref<8000xi32, #tpu.memory_space<vmem>>) target_semaphore(%arg16 : memref<!tpu.dma_semaphore, #tpu.memory_space<semaphore_mem>>)
    %dma_start3A_40 = arith.constant 0 : i32
    %dma_start3A_41 = tpu.memref_slice %arg3[%dma_start3A_40] : memref<320000xf32, #tpu.memory_space<hbm>> -> memref<8000xf32, #tpu.memory_space<hbm>>
    %dma_start3A_42 = arith.constant 0 : i32
    %dma_start3A_43 = tpu.memref_slice %arg3[%dma_start3A_42] : memref<320000xf32, #tpu.memory_space<hbm>> -> memref<8000xf32, #tpu.memory_space<hbm>>
    tpu.enqueue_dma source(%dma_start3A_43 : memref<8000xf32, #tpu.memory_space<hbm>>) target(%arg13 : memref<8000xf32, #tpu.memory_space<vmem>>) target_semaphore(%arg16 : memref<!tpu.dma_semaphore, #tpu.memory_space<semaphore_mem>>)
    %broadcast_in_dim3A = arith.constant 0.000000e+00 : f32
    %broadcast_in_dim3A_44 = vector.broadcast %broadcast_in_dim3A : f32 to vector<16xf32>
    %parallel_loop3A = arith.constant 0 : i32
    %parallel_loop3A_45 = arith.constant 625 : i32
    %parallel_loop3A_46 = arith.constant 1 : i32
    scf.for %parallel_loop3A_67 = %parallel_loop3A to %parallel_loop3A_45 step %parallel_loop3A_46  : i32 {
      %parallel_loop3A_68 = arith.constant 16 : i32
      %parallel_loop3A_69 = arith.muli %parallel_loop3A_67, %parallel_loop3A_68 : i32
      %parallel_loop3A_70 = arith.index_cast %parallel_loop3A_69 : i32 to index
      %parallel_loop3A_71 = tpu.vector_load %arg8[%parallel_loop3A_70] {strides = array<i32>} : memref<10000xf32, #tpu.memory_space<vmem>>, vector<16xf32>,
      tpu.vector_store %arg8[%parallel_loop3A_70], %broadcast_in_dim3A_44 {strides = array<i32>} : memref<10000xf32, #tpu.memory_space<vmem>>, vector<16xf32>,
      %parallel_loop3A_72 = arith.constant 16 : i32
      %parallel_loop3A_73 = arith.muli %parallel_loop3A_67, %parallel_loop3A_72 : i32
      %parallel_loop3A_74 = arith.index_cast %parallel_loop3A_73 : i32 to index
      %parallel_loop3A_75 = tpu.vector_load %arg9[%parallel_loop3A_74] {strides = array<i32>} : memref<10000xf32, #tpu.memory_space<vmem>>, vector<16xf32>,
      tpu.vector_store %arg9[%parallel_loop3A_74], %broadcast_in_dim3A_44 {strides = array<i32>} : memref<10000xf32, #tpu.memory_space<vmem>>, vector<16xf32>,
      %parallel_loop3A_76 = arith.constant 16 : i32
      %parallel_loop3A_77 = arith.muli %parallel_loop3A_67, %parallel_loop3A_76 : i32
      %parallel_loop3A_78 = arith.index_cast %parallel_loop3A_77 : i32 to index
      %parallel_loop3A_79 = tpu.vector_load %arg10[%parallel_loop3A_78] {strides = array<i32>} : memref<10000xf32, #tpu.memory_space<vmem>>, vector<16xf32>,
      tpu.vector_store %arg10[%parallel_loop3A_78], %broadcast_in_dim3A_44 {strides = array<i32>} : memref<10000xf32, #tpu.memory_space<vmem>>, vector<16xf32>,
      %parallel_loop3A_80 = arith.constant 16 : i32
      %parallel_loop3A_81 = arith.muli %parallel_loop3A_67, %parallel_loop3A_80 : i32
      %parallel_loop3A_82 = arith.index_cast %parallel_loop3A_81 : i32 to index
      %parallel_loop3A_83 = tpu.vector_load %arg11[%parallel_loop3A_82] {strides = array<i32>} : memref<10000xf32, #tpu.memory_space<vmem>>, vector<16xf32>,
      tpu.vector_store %arg11[%parallel_loop3A_82], %broadcast_in_dim3A_44 {strides = array<i32>} : memref<10000xf32, #tpu.memory_space<vmem>>, vector<16xf32>,
    } {sc.loop_unroll_factor = 8 : i64, sc.parallel_access}
    %dma_wait3A = tpu.memref_slice %arg4[%add3A_30] : memref<640000xi32, #tpu.memory_space<hbm>> -> memref<10000xi32, #tpu.memory_space<hbm>>
    %dma_wait3A_47 = tpu.memref_slice %arg4[%add3A_30] : memref<640000xi32, #tpu.memory_space<hbm>> -> memref<10000xi32, #tpu.memory_space<hbm>>
    tpu.wait_dma2 semaphore(%arg18 : memref<!tpu.dma_semaphore, #tpu.memory_space<semaphore_mem>>) src(%dma_wait3A_47 : memref<10000xi32, #tpu.memory_space<hbm>>) dst(%arg6 : memref<10000xi32, #tpu.memory_space<vmem>>)
    %dma_wait3A_48 = tpu.memref_slice %arg4[%add3A_33] : memref<640000xi32, #tpu.memory_space<hbm>> -> memref<10000xi32, #tpu.memory_space<hbm>>
    %dma_wait3A_49 = tpu.memref_slice %arg4[%add3A_33] : memref<640000xi32, #tpu.memory_space<hbm>> -> memref<10000xi32, #tpu.memory_space<hbm>>
    tpu.wait_dma2 semaphore(%arg18 : memref<!tpu.dma_semaphore, #tpu.memory_space<semaphore_mem>>) src(%dma_wait3A_49 : memref<10000xi32, #tpu.memory_space<hbm>>) dst(%arg7 : memref<10000xi32, #tpu.memory_space<vmem>>)
    %broadcast_in_dim3A_50 = arith.constant 16383 : i32
    %broadcast_in_dim3A_51 = vector.broadcast %broadcast_in_dim3A_50 : i32 to vector<16xi32>
    %broadcast_in_dim3A_52 = arith.constant -65536 : i32
    %broadcast_in_dim3A_53 = vector.broadcast %broadcast_in_dim3A_52 : i32 to vector<16xi32>
    %scan3A = arith.constant 0 : i32
    %scan3A_54 = arith.constant 0 : i32
    %scan3A_55 = arith.constant 20 : i32
    %scan3A_56 = arith.addi %scan3A_54, %scan3A_55 : i32
    %scan3A_57 = arith.constant 1 : i32
    scf.for %scan3A_67 = %scan3A_54 to %scan3A_56 step %scan3A_57  : i32 {
      %mul3A_68 = arith.constant 2 : i32
      %mul3A_69 = arith.muli %scan3A_67, %mul3A_68 : i32
      %add3A_70 = arith.constant 1 : i32
      %add3A_71 = arith.addi %mul3A_69, %add3A_70 : i32
      %mul3A_72 = arith.constant 8000 : i32
      %mul3A_73 = arith.muli %add3A_71, %mul3A_72 : i32
      %dma_start3A_74 = tpu.memref_slice %arg2[%mul3A_73] : memref<320000xi32, #tpu.memory_space<hbm>> -> memref<8000xi32, #tpu.memory_space<hbm>>
      %dma_start3A_75 = tpu.memref_slice %arg2[%mul3A_73] : memref<320000xi32, #tpu.memory_space<hbm>> -> memref<8000xi32, #tpu.memory_space<hbm>>
      tpu.enqueue_dma source(%dma_start3A_75 : memref<8000xi32, #tpu.memory_space<hbm>>) target(%arg14 : memref<8000xi32, #tpu.memory_space<vmem>>) target_semaphore(%arg17 : memref<!tpu.dma_semaphore, #tpu.memory_space<semaphore_mem>>)
      %dma_start3A_76 = tpu.memref_slice %arg3[%mul3A_73] : memref<320000xf32, #tpu.memory_space<hbm>> -> memref<8000xf32, #tpu.memory_space<hbm>>
      %dma_start3A_77 = tpu.memref_slice %arg3[%mul3A_73] : memref<320000xf32, #tpu.memory_space<hbm>> -> memref<8000xf32, #tpu.memory_space<hbm>>
      tpu.enqueue_dma source(%dma_start3A_77 : memref<8000xf32, #tpu.memory_space<hbm>>) target(%arg15 : memref<8000xf32, #tpu.memory_space<vmem>>) target_semaphore(%arg17 : memref<!tpu.dma_semaphore, #tpu.memory_space<semaphore_mem>>)
      %dma_wait3A_78 = arith.constant 0 : i32
      %dma_wait3A_79 = tpu.memref_slice %arg2[%dma_wait3A_78] : memref<320000xi32, #tpu.memory_space<hbm>> -> memref<8000xi32, #tpu.memory_space<hbm>>
      %dma_wait3A_80 = arith.constant 0 : i32
      %dma_wait3A_81 = tpu.memref_slice %arg2[%dma_wait3A_80] : memref<320000xi32, #tpu.memory_space<hbm>> -> memref<8000xi32, #tpu.memory_space<hbm>>
      tpu.wait_dma2 semaphore(%arg16 : memref<!tpu.dma_semaphore, #tpu.memory_space<semaphore_mem>>) src(%dma_wait3A_81 : memref<8000xi32, #tpu.memory_space<hbm>>) dst(%arg12 : memref<8000xi32, #tpu.memory_space<vmem>>)
      %dma_wait3A_82 = arith.constant 0 : i32
      %dma_wait3A_83 = tpu.memref_slice %arg3[%dma_wait3A_82] : memref<320000xf32, #tpu.memory_space<hbm>> -> memref<8000xf32, #tpu.memory_space<hbm>>
      %dma_wait3A_84 = arith.constant 0 : i32
      %dma_wait3A_85 = tpu.memref_slice %arg3[%dma_wait3A_84] : memref<320000xf32, #tpu.memory_space<hbm>> -> memref<8000xf32, #tpu.memory_space<hbm>>
      tpu.wait_dma2 semaphore(%arg16 : memref<!tpu.dma_semaphore, #tpu.memory_space<semaphore_mem>>) src(%dma_wait3A_85 : memref<8000xf32, #tpu.memory_space<hbm>>) dst(%arg13 : memref<8000xf32, #tpu.memory_space<vmem>>)
      %parallel_loop3A_86 = arith.constant 0 : i32
      %parallel_loop3A_87 = arith.constant 500 : i32
      %parallel_loop3A_88 = arith.constant 1 : i32
      scf.for %parallel_loop3A_104 = %parallel_loop3A_86 to %parallel_loop3A_87 step %parallel_loop3A_88  : i32 {
        %parallel_loop3A_105 = arith.constant 16 : i32
        %parallel_loop3A_106 = arith.muli %parallel_loop3A_104, %parallel_loop3A_105 : i32
        %parallel_loop3A_107 = arith.index_cast %parallel_loop3A_106 : i32 to index
        %parallel_loop3A_108 = tpu.vector_load %arg12[%parallel_loop3A_107] {strides = array<i32>} : memref<8000xi32, #tpu.memory_space<vmem>>, vector<16xi32>,
        %parallel_loop3A_109 = arith.index_cast %parallel_loop3A_106 : i32 to index
        %parallel_loop3A_110 = tpu.vector_load %arg13[%parallel_loop3A_109] {strides = array<i32>} : memref<8000xf32, #tpu.memory_space<vmem>>, vector<16xf32>,
        %parallel_loop3A_111 = arith.andi %parallel_loop3A_108, %broadcast_in_dim3A_51 : vector<16xi32>
        %parallel_loop3A_112 = arith.constant 14 : i32
        %parallel_loop3A_113 = vector.broadcast %parallel_loop3A_112 : i32 to vector<16xi32>
        %parallel_loop3A_114 = arith.shrui %parallel_loop3A_108, %parallel_loop3A_113 : vector<16xi32>
        %parallel_loop3A_115 = tpu.vector_load_idx %arg6[%parallel_loop3A_111] : memref<10000xi32, #tpu.memory_space<vmem>>[vector<16xi32>], vector<16xi32>,
        %parallel_loop3A_116 = arith.constant 16 : i32
        %parallel_loop3A_117 = vector.broadcast %parallel_loop3A_116 : i32 to vector<16xi32>
        %parallel_loop3A_118 = arith.shli %parallel_loop3A_115, %parallel_loop3A_117 : vector<16xi32>
        %parallel_loop3A_119 = vector.bitcast %parallel_loop3A_118 : vector<16xi32> to vector<16xf32>
        %parallel_loop3A_120 = arith.andi %parallel_loop3A_115, %broadcast_in_dim3A_53 : vector<16xi32>
        %parallel_loop3A_121 = vector.bitcast %parallel_loop3A_120 : vector<16xi32> to vector<16xf32>
        %parallel_loop3A_122 = arith.mulf %parallel_loop3A_119, %parallel_loop3A_110 : vector<16xf32>
        tpu.vector_store_idx %arg8[%parallel_loop3A_114], %parallel_loop3A_122 {add = true} : memref<10000xf32, #tpu.memory_space<vmem>>[vector<16xi32>], vector<16xf32>,
        %parallel_loop3A_123 = arith.mulf %parallel_loop3A_121, %parallel_loop3A_110 : vector<16xf32>
        tpu.vector_store_idx %arg9[%parallel_loop3A_114], %parallel_loop3A_123 {add = true} : memref<10000xf32, #tpu.memory_space<vmem>>[vector<16xi32>], vector<16xf32>,
        %parallel_loop3A_124 = tpu.vector_load_idx %arg7[%parallel_loop3A_111] : memref<10000xi32, #tpu.memory_space<vmem>>[vector<16xi32>], vector<16xi32>,
        %parallel_loop3A_125 = arith.constant 16 : i32
        %parallel_loop3A_126 = vector.broadcast %parallel_loop3A_125 : i32 to vector<16xi32>
        %parallel_loop3A_127 = arith.shli %parallel_loop3A_124, %parallel_loop3A_126 : vector<16xi32>
        %parallel_loop3A_128 = vector.bitcast %parallel_loop3A_127 : vector<16xi32> to vector<16xf32>
        %parallel_loop3A_129 = arith.andi %parallel_loop3A_124, %broadcast_in_dim3A_53 : vector<16xi32>
        %parallel_loop3A_130 = vector.bitcast %parallel_loop3A_129 : vector<16xi32> to vector<16xf32>
        %parallel_loop3A_131 = arith.mulf %parallel_loop3A_128, %parallel_loop3A_110 : vector<16xf32>
        tpu.vector_store_idx %arg10[%parallel_loop3A_114], %parallel_loop3A_131 {add = true} : memref<10000xf32, #tpu.memory_space<vmem>>[vector<16xi32>], vector<16xf32>,
        %parallel_loop3A_132 = arith.mulf %parallel_loop3A_130, %parallel_loop3A_110 : vector<16xf32>
        tpu.vector_store_idx %arg11[%parallel_loop3A_114], %parallel_loop3A_132 {add = true} : memref<10000xf32, #tpu.memory_space<vmem>>[vector<16xi32>], vector<16xf32>,
      } {sc.loop_unroll_factor = 4 : i64, sc.parallel_access}
      %add3A_89 = arith.constant 2 : i32
      %add3A_90 = arith.addi %mul3A_69, %add3A_89 : i32
      %lt3A = arith.constant 40 : i32
      %lt3A_91 = arith.cmpi slt, %add3A_90, %lt3A : i32
      %convert_element_type3A = arith.extui %lt3A_91 : i1 to i32
      %cond3A = arith.constant 0 : i32
      %cond3A_92 = arith.cmpi ne, %convert_element_type3A, %cond3A : i32
      scf.if %cond3A_92 {
        %add3A_104 = arith.constant 2 : i32
        %add3A_105 = arith.addi %mul3A_69, %add3A_104 : i32
        %mul3A_106 = arith.constant 8000 : i32
        %mul3A_107 = arith.muli %add3A_105, %mul3A_106 : i32
        %dma_start3A_108 = tpu.memref_slice %arg2[%mul3A_107] : memref<320000xi32, #tpu.memory_space<hbm>> -> memref<8000xi32, #tpu.memory_space<hbm>>
        %dma_start3A_109 = tpu.memref_slice %arg2[%mul3A_107] : memref<320000xi32, #tpu.memory_space<hbm>> -> memref<8000xi32, #tpu.memory_space<hbm>>
        tpu.enqueue_dma source(%dma_start3A_109 : memref<8000xi32, #tpu.memory_space<hbm>>) target(%arg12 : memref<8000xi32, #tpu.memory_space<vmem>>) target_semaphore(%arg16 : memref<!tpu.dma_semaphore, #tpu.memory_space<semaphore_mem>>)
        %dma_start3A_110 = tpu.memref_slice %arg3[%mul3A_107] : memref<320000xf32, #tpu.memory_space<hbm>> -> memref<8000xf32, #tpu.memory_space<hbm>>
        %dma_start3A_111 = tpu.memref_slice %arg3[%mul3A_107] : memref<320000xf32, #tpu.memory_space<hbm>> -> memref<8000xf32, #tpu.memory_space<hbm>>
        tpu.enqueue_dma source(%dma_start3A_111 : memref<8000xf32, #tpu.memory_space<hbm>>) target(%arg13 : memref<8000xf32, #tpu.memory_space<vmem>>) target_semaphore(%arg16 : memref<!tpu.dma_semaphore, #tpu.memory_space<semaphore_mem>>)
      } else {
      }
      %dma_wait3A_93 = arith.constant 0 : i32
      %dma_wait3A_94 = tpu.memref_slice %arg2[%dma_wait3A_93] : memref<320000xi32, #tpu.memory_space<hbm>> -> memref<8000xi32, #tpu.memory_space<hbm>>
      %dma_wait3A_95 = arith.constant 0 : i32
      %dma_wait3A_96 = tpu.memref_slice %arg2[%dma_wait3A_95] : memref<320000xi32, #tpu.memory_space<hbm>> -> memref<8000xi32, #tpu.memory_space<hbm>>
      tpu.wait_dma2 semaphore(%arg17 : memref<!tpu.dma_semaphore, #tpu.memory_space<semaphore_mem>>) src(%dma_wait3A_96 : memref<8000xi32, #tpu.memory_space<hbm>>) dst(%arg14 : memref<8000xi32, #tpu.memory_space<vmem>>)
      %dma_wait3A_97 = arith.constant 0 : i32
      %dma_wait3A_98 = tpu.memref_slice %arg3[%dma_wait3A_97] : memref<320000xf32, #tpu.memory_space<hbm>> -> memref<8000xf32, #tpu.memory_space<hbm>>
      %dma_wait3A_99 = arith.constant 0 : i32
      %dma_wait3A_100 = tpu.memref_slice %arg3[%dma_wait3A_99] : memref<320000xf32, #tpu.memory_space<hbm>> -> memref<8000xf32, #tpu.memory_space<hbm>>
      tpu.wait_dma2 semaphore(%arg17 : memref<!tpu.dma_semaphore, #tpu.memory_space<semaphore_mem>>) src(%dma_wait3A_100 : memref<8000xf32, #tpu.memory_space<hbm>>) dst(%arg15 : memref<8000xf32, #tpu.memory_space<vmem>>)
      %parallel_loop3A_101 = arith.constant 0 : i32
      %parallel_loop3A_102 = arith.constant 500 : i32
      %parallel_loop3A_103 = arith.constant 1 : i32
      scf.for %parallel_loop3A_104 = %parallel_loop3A_101 to %parallel_loop3A_102 step %parallel_loop3A_103  : i32 {
        %parallel_loop3A_105 = arith.constant 16 : i32
        %parallel_loop3A_106 = arith.muli %parallel_loop3A_104, %parallel_loop3A_105 : i32
        %parallel_loop3A_107 = arith.index_cast %parallel_loop3A_106 : i32 to index
        %parallel_loop3A_108 = tpu.vector_load %arg14[%parallel_loop3A_107] {strides = array<i32>} : memref<8000xi32, #tpu.memory_space<vmem>>, vector<16xi32>,
        %parallel_loop3A_109 = arith.index_cast %parallel_loop3A_106 : i32 to index
        %parallel_loop3A_110 = tpu.vector_load %arg15[%parallel_loop3A_109] {strides = array<i32>} : memref<8000xf32, #tpu.memory_space<vmem>>, vector<16xf32>,
        %parallel_loop3A_111 = arith.andi %parallel_loop3A_108, %broadcast_in_dim3A_51 : vector<16xi32>
        %parallel_loop3A_112 = arith.constant 14 : i32
        %parallel_loop3A_113 = vector.broadcast %parallel_loop3A_112 : i32 to vector<16xi32>
        %parallel_loop3A_114 = arith.shrui %parallel_loop3A_108, %parallel_loop3A_113 : vector<16xi32>
        %parallel_loop3A_115 = tpu.vector_load_idx %arg6[%parallel_loop3A_111] : memref<10000xi32, #tpu.memory_space<vmem>>[vector<16xi32>], vector<16xi32>,
        %parallel_loop3A_116 = arith.constant 16 : i32
        %parallel_loop3A_117 = vector.broadcast %parallel_loop3A_116 : i32 to vector<16xi32>
        %parallel_loop3A_118 = arith.shli %parallel_loop3A_115, %parallel_loop3A_117 : vector<16xi32>
        %parallel_loop3A_119 = vector.bitcast %parallel_loop3A_118 : vector<16xi32> to vector<16xf32>
        %parallel_loop3A_120 = arith.andi %parallel_loop3A_115, %broadcast_in_dim3A_53 : vector<16xi32>
        %parallel_loop3A_121 = vector.bitcast %parallel_loop3A_120 : vector<16xi32> to vector<16xf32>
        %parallel_loop3A_122 = arith.mulf %parallel_loop3A_119, %parallel_loop3A_110 : vector<16xf32>
        tpu.vector_store_idx %arg8[%parallel_loop3A_114], %parallel_loop3A_122 {add = true} : memref<10000xf32, #tpu.memory_space<vmem>>[vector<16xi32>], vector<16xf32>,
        %parallel_loop3A_123 = arith.mulf %parallel_loop3A_121, %parallel_loop3A_110 : vector<16xf32>
        tpu.vector_store_idx %arg9[%parallel_loop3A_114], %parallel_loop3A_123 {add = true} : memref<10000xf32, #tpu.memory_space<vmem>>[vector<16xi32>], vector<16xf32>,
        %parallel_loop3A_124 = tpu.vector_load_idx %arg7[%parallel_loop3A_111] : memref<10000xi32, #tpu.memory_space<vmem>>[vector<16xi32>], vector<16xi32>,
        %parallel_loop3A_125 = arith.constant 16 : i32
        %parallel_loop3A_126 = vector.broadcast %parallel_loop3A_125 : i32 to vector<16xi32>
        %parallel_loop3A_127 = arith.shli %parallel_loop3A_124, %parallel_loop3A_126 : vector<16xi32>
        %parallel_loop3A_128 = vector.bitcast %parallel_loop3A_127 : vector<16xi32> to vector<16xf32>
        %parallel_loop3A_129 = arith.andi %parallel_loop3A_124, %broadcast_in_dim3A_53 : vector<16xi32>
        %parallel_loop3A_130 = vector.bitcast %parallel_loop3A_129 : vector<16xi32> to vector<16xf32>
        %parallel_loop3A_131 = arith.mulf %parallel_loop3A_128, %parallel_loop3A_110 : vector<16xf32>
        tpu.vector_store_idx %arg10[%parallel_loop3A_114], %parallel_loop3A_131 {add = true} : memref<10000xf32, #tpu.memory_space<vmem>>[vector<16xi32>], vector<16xf32>,
        %parallel_loop3A_132 = arith.mulf %parallel_loop3A_130, %parallel_loop3A_110 : vector<16xf32>
        tpu.vector_store_idx %arg11[%parallel_loop3A_114], %parallel_loop3A_132 {add = true} : memref<10000xf32, #tpu.memory_space<vmem>>[vector<16xi32>], vector<16xf32>,
      } {sc.loop_unroll_factor = 4 : i64, sc.parallel_access}
    }
    %scan3A_58 = arith.constant 20 : i32
    %mul3A_59 = arith.constant 10000 : i32
    %mul3A_60 = arith.muli %add3A_10, %mul3A_59 : i32
    "tpu.region"() ({
      %run_scoped3A = tpu.sem_alloc : memref<!tpu.dma_semaphore, #tpu.memory_space<semaphore_mem>>
      %dma_start3A_67 = tpu.memref_slice %arg5[%mul3A_60] : memref<1280000xf32, #tpu.memory_space<hbm>> -> memref<10000xf32, #tpu.memory_space<hbm>>
      %dma_start3A_68 = tpu.memref_slice %arg5[%mul3A_60] : memref<1280000xf32, #tpu.memory_space<hbm>> -> memref<10000xf32, #tpu.memory_space<hbm>>
      tpu.enqueue_dma source(%arg8 : memref<10000xf32, #tpu.memory_space<vmem>>) target(%dma_start3A_68 : memref<10000xf32, #tpu.memory_space<hbm>>) target_semaphore(%run_scoped3A : memref<!tpu.dma_semaphore, #tpu.memory_space<semaphore_mem>>)
      %dma_wait3A_69 = tpu.memref_slice %arg5[%mul3A_60] : memref<1280000xf32, #tpu.memory_space<hbm>> -> memref<10000xf32, #tpu.memory_space<hbm>>
      %dma_wait3A_70 = tpu.memref_slice %arg5[%mul3A_60] : memref<1280000xf32, #tpu.memory_space<hbm>> -> memref<10000xf32, #tpu.memory_space<hbm>>
      tpu.wait_dma2 semaphore(%run_scoped3A : memref<!tpu.dma_semaphore, #tpu.memory_space<semaphore_mem>>) src(%arg8 : memref<10000xf32, #tpu.memory_space<vmem>>) dst(%dma_wait3A_70 : memref<10000xf32, #tpu.memory_space<hbm>>)
      tpu.yield
    }) : () -> ()
    %mul3A_61 = arith.constant 10000 : i32
    %mul3A_62 = arith.muli %add3A_16, %mul3A_61 : i32
    "tpu.region"() ({
      %run_scoped3A = tpu.sem_alloc : memref<!tpu.dma_semaphore, #tpu.memory_space<semaphore_mem>>
      %dma_start3A_67 = tpu.memref_slice %arg5[%mul3A_62] : memref<1280000xf32, #tpu.memory_space<hbm>> -> memref<10000xf32, #tpu.memory_space<hbm>>
      %dma_start3A_68 = tpu.memref_slice %arg5[%mul3A_62] : memref<1280000xf32, #tpu.memory_space<hbm>> -> memref<10000xf32, #tpu.memory_space<hbm>>
      tpu.enqueue_dma source(%arg9 : memref<10000xf32, #tpu.memory_space<vmem>>) target(%dma_start3A_68 : memref<10000xf32, #tpu.memory_space<hbm>>) target_semaphore(%run_scoped3A : memref<!tpu.dma_semaphore, #tpu.memory_space<semaphore_mem>>)
      %dma_wait3A_69 = tpu.memref_slice %arg5[%mul3A_62] : memref<1280000xf32, #tpu.memory_space<hbm>> -> memref<10000xf32, #tpu.memory_space<hbm>>
      %dma_wait3A_70 = tpu.memref_slice %arg5[%mul3A_62] : memref<1280000xf32, #tpu.memory_space<hbm>> -> memref<10000xf32, #tpu.memory_space<hbm>>
      tpu.wait_dma2 semaphore(%run_scoped3A : memref<!tpu.dma_semaphore, #tpu.memory_space<semaphore_mem>>) src(%arg9 : memref<10000xf32, #tpu.memory_space<vmem>>) dst(%dma_wait3A_70 : memref<10000xf32, #tpu.memory_space<hbm>>)
      tpu.yield
    }) : () -> ()
    %mul3A_63 = arith.constant 10000 : i32
    %mul3A_64 = arith.muli %add3A_22, %mul3A_63 : i32
    "tpu.region"() ({
      %run_scoped3A = tpu.sem_alloc : memref<!tpu.dma_semaphore, #tpu.memory_space<semaphore_mem>>
      %dma_start3A_67 = tpu.memref_slice %arg5[%mul3A_64] : memref<1280000xf32, #tpu.memory_space<hbm>> -> memref<10000xf32, #tpu.memory_space<hbm>>
      %dma_start3A_68 = tpu.memref_slice %arg5[%mul3A_64] : memref<1280000xf32, #tpu.memory_space<hbm>> -> memref<10000xf32, #tpu.memory_space<hbm>>
      tpu.enqueue_dma source(%arg10 : memref<10000xf32, #tpu.memory_space<vmem>>) target(%dma_start3A_68 : memref<10000xf32, #tpu.memory_space<hbm>>) target_semaphore(%run_scoped3A : memref<!tpu.dma_semaphore, #tpu.memory_space<semaphore_mem>>)
      %dma_wait3A_69 = tpu.memref_slice %arg5[%mul3A_64] : memref<1280000xf32, #tpu.memory_space<hbm>> -> memref<10000xf32, #tpu.memory_space<hbm>>
      %dma_wait3A_70 = tpu.memref_slice %arg5[%mul3A_64] : memref<1280000xf32, #tpu.memory_space<hbm>> -> memref<10000xf32, #tpu.memory_space<hbm>>
      tpu.wait_dma2 semaphore(%run_scoped3A : memref<!tpu.dma_semaphore, #tpu.memory_space<semaphore_mem>>) src(%arg10 : memref<10000xf32, #tpu.memory_space<vmem>>) dst(%dma_wait3A_70 : memref<10000xf32, #tpu.memory_space<hbm>>)
      tpu.yield
    }) : () -> ()
    %mul3A_65 = arith.constant 10000 : i32
    %mul3A_66 = arith.muli %add3A_28, %mul3A_65 : i32
    "tpu.region"() ({
      %run_scoped3A = tpu.sem_alloc : memref<!tpu.dma_semaphore, #tpu.memory_space<semaphore_mem>>
      %dma_start3A_67 = tpu.memref_slice %arg5[%mul3A_66] : memref<1280000xf32, #tpu.memory_space<hbm>> -> memref<10000xf32, #tpu.memory_space<hbm>>
      %dma_start3A_68 = tpu.memref_slice %arg5[%mul3A_66] : memref<1280000xf32, #tpu.memory_space<hbm>> -> memref<10000xf32, #tpu.memory_space<hbm>>
      tpu.enqueue_dma source(%arg11 : memref<10000xf32, #tpu.memory_space<vmem>>) target(%dma_start3A_68 : memref<10000xf32, #tpu.memory_space<hbm>>) target_semaphore(%run_scoped3A : memref<!tpu.dma_semaphore, #tpu.memory_space<semaphore_mem>>)
      %dma_wait3A_69 = tpu.memref_slice %arg5[%mul3A_66] : memref<1280000xf32, #tpu.memory_space<hbm>> -> memref<10000xf32, #tpu.memory_space<hbm>>
      %dma_wait3A_70 = tpu.memref_slice %arg5[%mul3A_66] : memref<1280000xf32, #tpu.memory_space<hbm>> -> memref<10000xf32, #tpu.memory_space<hbm>>
      tpu.wait_dma2 semaphore(%run_scoped3A : memref<!tpu.dma_semaphore, #tpu.memory_space<semaphore_mem>>) src(%arg11 : memref<10000xf32, #tpu.memory_space<vmem>>) dst(%dma_wait3A_70 : memref<10000xf32, #tpu.memory_space<hbm>>)
      tpu.yield
    }) : () -> ()
    return
  }
}

#map = affine_map<(d0, d1) -> (0)>
module attributes {stable_mosaic.version = 14 : i64} {
  func.func @_sc_aggregate(%arg0: i32, %arg1: i32, %arg2: memref<320000xi32, #tpu.memory_space<hbm>>, %arg3: memref<320000xf32, #tpu.memory_space<hbm>>, %arg4: memref<640000xi32, #tpu.memory_space<hbm>>, %arg5: memref<1280000xf32, #tpu.memory_space<hbm>>, %arg6: memref<10000xi32, #tpu.memory_space<vmem>>, %arg7: memref<10000xi32, #tpu.memory_space<vmem>>, %arg8: memref<10000xf32, #tpu.memory_space<vmem>>, %arg9: memref<10000xf32, #tpu.memory_space<vmem>>, %arg10: memref<10000xf32, #tpu.memory_space<vmem>>, %arg11: memref<10000xf32, #tpu.memory_space<vmem>>, %arg12: memref<8000xi32, #tpu.memory_space<vmem>>, %arg13: memref<8000xf32, #tpu.memory_space<vmem>>, %arg14: memref<8000xi32, #tpu.memory_space<vmem>>, %arg15: memref<8000xf32, #tpu.memory_space<vmem>>, %arg16: memref<!tpu.dma_semaphore, #tpu.memory_space<semaphore_mem>>, %arg17: memref<!tpu.dma_semaphore, #tpu.memory_space<semaphore_mem>>, %arg18: memref<!tpu.dma_semaphore, #tpu.memory_space<semaphore_mem>>) attributes {dimension_semantics = [#tpu.dimension_semantics<core_parallel>, #tpu.dimension_semantics<subcore_parallel>], iteration_bounds = array<i64: 2, 16>, scalar_prefetch = 0 : i64, scratch_operands = 13 : i64, tpu.core_type = #tpu.core_type<sc_vector_subcore>, window_params = [{transform_indices = #map}, {transform_indices = #map}, {transform_indices = #map}, {transform_indices = #map}]} {
    %mul3A = arith.constant 2 : i32
    %mul3A_0 = arith.muli %arg1, %mul3A : i32
    %add3A = arith.addi %mul3A_0, %arg0 : i32
    %mul3A_1 = arith.constant 2 : i32
    %mul3A_2 = arith.muli %add3A, %mul3A_1 : i32
    %mul3A_3 = arith.constant 10000 : i32
    %mul3A_4 = arith.muli %mul3A_2, %mul3A_3 : i32
    %mul3A_5 = arith.constant 2 : i32
    %mul3A_6 = arith.muli %mul3A_5, %add3A : i32
    %add3A_7 = arith.constant 0 : i32
    %add3A_8 = arith.addi %mul3A_6, %add3A_7 : i32
    %add3A_9 = arith.constant 0 : i32
    %add3A_10 = arith.addi %add3A_8, %add3A_9 : i32
    %mul3A_11 = arith.constant 2 : i32
    %mul3A_12 = arith.muli %mul3A_11, %add3A : i32
    %add3A_13 = arith.constant 0 : i32
    %add3A_14 = arith.addi %mul3A_12, %add3A_13 : i32
    %add3A_15 = arith.constant 64 : i32
    %add3A_16 = arith.addi %add3A_14, %add3A_15 : i32
    %mul3A_17 = arith.constant 2 : i32
    %mul3A_18 = arith.muli %mul3A_17, %add3A : i32
    %add3A_19 = arith.constant 1 : i32
    %add3A_20 = arith.addi %mul3A_18, %add3A_19 : i32
    %add3A_21 = arith.constant 0 : i32
    %add3A_22 = arith.addi %add3A_20, %add3A_21 : i32
    %mul3A_23 = arith.constant 2 : i32
    %mul3A_24 = arith.muli %mul3A_23, %add3A : i32
    %add3A_25 = arith.constant 1 : i32
    %add3A_26 = arith.addi %mul3A_24, %add3A_25 : i32
    %add3A_27 = arith.constant 64 : i32
    %add3A_28 = arith.addi %add3A_26, %add3A_27 : i32
    %add3A_29 = arith.constant 0 : i32
    %add3A_30 = arith.addi %mul3A_4, %add3A_29 : i32
    %dma_start3A = tpu.memref_slice %arg4[%add3A_30] : memref<640000xi32, #tpu.memory_space<hbm>> -> memref<10000xi32, #tpu.memory_space<hbm>>
    %dma_start3A_31 = tpu.memref_slice %arg4[%add3A_30] : memref<640000xi32, #tpu.memory_space<hbm>> -> memref<10000xi32, #tpu.memory_space<hbm>>
    tpu.enqueue_dma source(%dma_start3A_31 : memref<10000xi32, #tpu.memory_space<hbm>>) target(%arg6 : memref<10000xi32, #tpu.memory_space<vmem>>) target_semaphore(%arg18 : memref<!tpu.dma_semaphore, #tpu.memory_space<semaphore_mem>>)
    %add3A_32 = arith.constant 10000 : i32
    %add3A_33 = arith.addi %mul3A_4, %add3A_32 : i32
    %dma_start3A_34 = tpu.memref_slice %arg4[%add3A_33] : memref<640000xi32, #tpu.memory_space<hbm>> -> memref<10000xi32, #tpu.memory_space<hbm>>
    %dma_start3A_35 = tpu.memref_slice %arg4[%add3A_33] : memref<640000xi32, #tpu.memory_space<hbm>> -> memref<10000xi32, #tpu.memory_space<hbm>>
    tpu.enqueue_dma source(%dma_start3A_35 : memref<10000xi32, #tpu.memory_space<hbm>>) target(%arg7 : memref<10000xi32, #tpu.memory_space<vmem>>) target_semaphore(%arg18 : memref<!tpu.dma_semaphore, #tpu.memory_space<semaphore_mem>>)
    %dma_start3A_36 = arith.constant 0 : i32
    %dma_start3A_37 = tpu.memref_slice %arg2[%dma_start3A_36] : memref<320000xi32, #tpu.memory_space<hbm>> -> memref<8000xi32, #tpu.memory_space<hbm>>
    %dma_start3A_38 = arith.constant 0 : i32
    %dma_start3A_39 = tpu.memref_slice %arg2[%dma_start3A_38] : memref<320000xi32, #tpu.memory_space<hbm>> -> memref<8000xi32, #tpu.memory_space<hbm>>
    tpu.enqueue_dma source(%dma_start3A_39 : memref<8000xi32, #tpu.memory_space<hbm>>) target(%arg12 : memref<8000xi32, #tpu.memory_space<vmem>>) target_semaphore(%arg16 : memref<!tpu.dma_semaphore, #tpu.memory_space<semaphore_mem>>)
    %dma_start3A_40 = arith.constant 0 : i32
    %dma_start3A_41 = tpu.memref_slice %arg3[%dma_start3A_40] : memref<320000xf32, #tpu.memory_space<hbm>> -> memref<8000xf32, #tpu.memory_space<hbm>>
    %dma_start3A_42 = arith.constant 0 : i32
    %dma_start3A_43 = tpu.memref_slice %arg3[%dma_start3A_42] : memref<320000xf32, #tpu.memory_space<hbm>> -> memref<8000xf32, #tpu.memory_space<hbm>>
    tpu.enqueue_dma source(%dma_start3A_43 : memref<8000xf32, #tpu.memory_space<hbm>>) target(%arg13 : memref<8000xf32, #tpu.memory_space<vmem>>) target_semaphore(%arg16 : memref<!tpu.dma_semaphore, #tpu.memory_space<semaphore_mem>>)
    %broadcast_in_dim3A = arith.constant 0.000000e+00 : f32
    %broadcast_in_dim3A_44 = vector.broadcast %broadcast_in_dim3A : f32 to vector<16xf32>
    %parallel_loop3A = arith.constant 0 : i32
    %parallel_loop3A_45 = arith.constant 625 : i32
    %parallel_loop3A_46 = arith.constant 1 : i32
    scf.for %parallel_loop3A_67 = %parallel_loop3A to %parallel_loop3A_45 step %parallel_loop3A_46  : i32 {
      %parallel_loop3A_68 = arith.constant 16 : i32
      %parallel_loop3A_69 = arith.muli %parallel_loop3A_67, %parallel_loop3A_68 : i32
      %parallel_loop3A_70 = arith.index_cast %parallel_loop3A_69 : i32 to index
      %parallel_loop3A_71 = tpu.vector_load %arg8[%parallel_loop3A_70] {strides = array<i32>} : memref<10000xf32, #tpu.memory_space<vmem>>, vector<16xf32>,
      tpu.vector_store %arg8[%parallel_loop3A_70], %broadcast_in_dim3A_44 {strides = array<i32>} : memref<10000xf32, #tpu.memory_space<vmem>>, vector<16xf32>,
      %parallel_loop3A_72 = arith.constant 16 : i32
      %parallel_loop3A_73 = arith.muli %parallel_loop3A_67, %parallel_loop3A_72 : i32
      %parallel_loop3A_74 = arith.index_cast %parallel_loop3A_73 : i32 to index
      %parallel_loop3A_75 = tpu.vector_load %arg9[%parallel_loop3A_74] {strides = array<i32>} : memref<10000xf32, #tpu.memory_space<vmem>>, vector<16xf32>,
      tpu.vector_store %arg9[%parallel_loop3A_74], %broadcast_in_dim3A_44 {strides = array<i32>} : memref<10000xf32, #tpu.memory_space<vmem>>, vector<16xf32>,
      %parallel_loop3A_76 = arith.constant 16 : i32
      %parallel_loop3A_77 = arith.muli %parallel_loop3A_67, %parallel_loop3A_76 : i32
      %parallel_loop3A_78 = arith.index_cast %parallel_loop3A_77 : i32 to index
      %parallel_loop3A_79 = tpu.vector_load %arg10[%parallel_loop3A_78] {strides = array<i32>} : memref<10000xf32, #tpu.memory_space<vmem>>, vector<16xf32>,
      tpu.vector_store %arg10[%parallel_loop3A_78], %broadcast_in_dim3A_44 {strides = array<i32>} : memref<10000xf32, #tpu.memory_space<vmem>>, vector<16xf32>,
      %parallel_loop3A_80 = arith.constant 16 : i32
      %parallel_loop3A_81 = arith.muli %parallel_loop3A_67, %parallel_loop3A_80 : i32
      %parallel_loop3A_82 = arith.index_cast %parallel_loop3A_81 : i32 to index
      %parallel_loop3A_83 = tpu.vector_load %arg11[%parallel_loop3A_82] {strides = array<i32>} : memref<10000xf32, #tpu.memory_space<vmem>>, vector<16xf32>,
      tpu.vector_store %arg11[%parallel_loop3A_82], %broadcast_in_dim3A_44 {strides = array<i32>} : memref<10000xf32, #tpu.memory_space<vmem>>, vector<16xf32>,
    } {sc.loop_unroll_factor = 8 : i64, sc.parallel_access}
    %dma_wait3A = tpu.memref_slice %arg4[%add3A_30] : memref<640000xi32, #tpu.memory_space<hbm>> -> memref<10000xi32, #tpu.memory_space<hbm>>
    %dma_wait3A_47 = tpu.memref_slice %arg4[%add3A_30] : memref<640000xi32, #tpu.memory_space<hbm>> -> memref<10000xi32, #tpu.memory_space<hbm>>
    tpu.wait_dma2 semaphore(%arg18 : memref<!tpu.dma_semaphore, #tpu.memory_space<semaphore_mem>>) src(%dma_wait3A_47 : memref<10000xi32, #tpu.memory_space<hbm>>) dst(%arg6 : memref<10000xi32, #tpu.memory_space<vmem>>)
    %dma_wait3A_48 = tpu.memref_slice %arg4[%add3A_33] : memref<640000xi32, #tpu.memory_space<hbm>> -> memref<10000xi32, #tpu.memory_space<hbm>>
    %dma_wait3A_49 = tpu.memref_slice %arg4[%add3A_33] : memref<640000xi32, #tpu.memory_space<hbm>> -> memref<10000xi32, #tpu.memory_space<hbm>>
    tpu.wait_dma2 semaphore(%arg18 : memref<!tpu.dma_semaphore, #tpu.memory_space<semaphore_mem>>) src(%dma_wait3A_49 : memref<10000xi32, #tpu.memory_space<hbm>>) dst(%arg7 : memref<10000xi32, #tpu.memory_space<vmem>>)
    %broadcast_in_dim3A_50 = arith.constant 16383 : i32
    %broadcast_in_dim3A_51 = vector.broadcast %broadcast_in_dim3A_50 : i32 to vector<16xi32>
    %broadcast_in_dim3A_52 = arith.constant -65536 : i32
    %broadcast_in_dim3A_53 = vector.broadcast %broadcast_in_dim3A_52 : i32 to vector<16xi32>
    %scan3A = arith.constant 0 : i32
    %scan3A_54 = arith.constant 0 : i32
    %scan3A_55 = arith.constant 20 : i32
    %scan3A_56 = arith.addi %scan3A_54, %scan3A_55 : i32
    %scan3A_57 = arith.constant 1 : i32
    scf.for %scan3A_67 = %scan3A_54 to %scan3A_56 step %scan3A_57  : i32 {
      %mul3A_68 = arith.constant 2 : i32
      %mul3A_69 = arith.muli %scan3A_67, %mul3A_68 : i32
      %add3A_70 = arith.constant 1 : i32
      %add3A_71 = arith.addi %mul3A_69, %add3A_70 : i32
      %mul3A_72 = arith.constant 8000 : i32
      %mul3A_73 = arith.muli %add3A_71, %mul3A_72 : i32
      %dma_start3A_74 = tpu.memref_slice %arg2[%mul3A_73] : memref<320000xi32, #tpu.memory_space<hbm>> -> memref<8000xi32, #tpu.memory_space<hbm>>
      %dma_start3A_75 = tpu.memref_slice %arg2[%mul3A_73] : memref<320000xi32, #tpu.memory_space<hbm>> -> memref<8000xi32, #tpu.memory_space<hbm>>
      tpu.enqueue_dma source(%dma_start3A_75 : memref<8000xi32, #tpu.memory_space<hbm>>) target(%arg14 : memref<8000xi32, #tpu.memory_space<vmem>>) target_semaphore(%arg17 : memref<!tpu.dma_semaphore, #tpu.memory_space<semaphore_mem>>)
      %dma_start3A_76 = tpu.memref_slice %arg3[%mul3A_73] : memref<320000xf32, #tpu.memory_space<hbm>> -> memref<8000xf32, #tpu.memory_space<hbm>>
      %dma_start3A_77 = tpu.memref_slice %arg3[%mul3A_73] : memref<320000xf32, #tpu.memory_space<hbm>> -> memref<8000xf32, #tpu.memory_space<hbm>>
      tpu.enqueue_dma source(%dma_start3A_77 : memref<8000xf32, #tpu.memory_space<hbm>>) target(%arg15 : memref<8000xf32, #tpu.memory_space<vmem>>) target_semaphore(%arg17 : memref<!tpu.dma_semaphore, #tpu.memory_space<semaphore_mem>>)
      %dma_wait3A_78 = arith.constant 0 : i32
      %dma_wait3A_79 = tpu.memref_slice %arg2[%dma_wait3A_78] : memref<320000xi32, #tpu.memory_space<hbm>> -> memref<8000xi32, #tpu.memory_space<hbm>>
      %dma_wait3A_80 = arith.constant 0 : i32
      %dma_wait3A_81 = tpu.memref_slice %arg2[%dma_wait3A_80] : memref<320000xi32, #tpu.memory_space<hbm>> -> memref<8000xi32, #tpu.memory_space<hbm>>
      tpu.wait_dma2 semaphore(%arg16 : memref<!tpu.dma_semaphore, #tpu.memory_space<semaphore_mem>>) src(%dma_wait3A_81 : memref<8000xi32, #tpu.memory_space<hbm>>) dst(%arg12 : memref<8000xi32, #tpu.memory_space<vmem>>)
      %dma_wait3A_82 = arith.constant 0 : i32
      %dma_wait3A_83 = tpu.memref_slice %arg3[%dma_wait3A_82] : memref<320000xf32, #tpu.memory_space<hbm>> -> memref<8000xf32, #tpu.memory_space<hbm>>
      %dma_wait3A_84 = arith.constant 0 : i32
      %dma_wait3A_85 = tpu.memref_slice %arg3[%dma_wait3A_84] : memref<320000xf32, #tpu.memory_space<hbm>> -> memref<8000xf32, #tpu.memory_space<hbm>>
      tpu.wait_dma2 semaphore(%arg16 : memref<!tpu.dma_semaphore, #tpu.memory_space<semaphore_mem>>) src(%dma_wait3A_85 : memref<8000xf32, #tpu.memory_space<hbm>>) dst(%arg13 : memref<8000xf32, #tpu.memory_space<vmem>>)
      %parallel_loop3A_86 = arith.constant 0 : i32
      %parallel_loop3A_87 = arith.constant 500 : i32
      %parallel_loop3A_88 = arith.constant 1 : i32
      scf.for %parallel_loop3A_104 = %parallel_loop3A_86 to %parallel_loop3A_87 step %parallel_loop3A_88  : i32 {
        %parallel_loop3A_105 = arith.constant 16 : i32
        %parallel_loop3A_106 = arith.muli %parallel_loop3A_104, %parallel_loop3A_105 : i32
        %parallel_loop3A_107 = arith.index_cast %parallel_loop3A_106 : i32 to index
        %parallel_loop3A_108 = tpu.vector_load %arg12[%parallel_loop3A_107] {strides = array<i32>} : memref<8000xi32, #tpu.memory_space<vmem>>, vector<16xi32>,
        %parallel_loop3A_109 = arith.index_cast %parallel_loop3A_106 : i32 to index
        %parallel_loop3A_110 = tpu.vector_load %arg13[%parallel_loop3A_109] {strides = array<i32>} : memref<8000xf32, #tpu.memory_space<vmem>>, vector<16xf32>,
        %parallel_loop3A_111 = arith.andi %parallel_loop3A_108, %broadcast_in_dim3A_51 : vector<16xi32>
        %parallel_loop3A_112 = arith.constant 14 : i32
        %parallel_loop3A_113 = vector.broadcast %parallel_loop3A_112 : i32 to vector<16xi32>
        %parallel_loop3A_114 = arith.shrui %parallel_loop3A_108, %parallel_loop3A_113 : vector<16xi32>
        %parallel_loop3A_115 = tpu.vector_load_idx %arg6[%parallel_loop3A_111] : memref<10000xi32, #tpu.memory_space<vmem>>[vector<16xi32>], vector<16xi32>,
        %parallel_loop3A_116 = arith.constant 16 : i32
        %parallel_loop3A_117 = vector.broadcast %parallel_loop3A_116 : i32 to vector<16xi32>
        %parallel_loop3A_118 = arith.shli %parallel_loop3A_115, %parallel_loop3A_117 : vector<16xi32>
        %parallel_loop3A_119 = vector.bitcast %parallel_loop3A_118 : vector<16xi32> to vector<16xf32>
        %parallel_loop3A_120 = arith.andi %parallel_loop3A_115, %broadcast_in_dim3A_53 : vector<16xi32>
        %parallel_loop3A_121 = vector.bitcast %parallel_loop3A_120 : vector<16xi32> to vector<16xf32>
        %parallel_loop3A_122 = arith.mulf %parallel_loop3A_119, %parallel_loop3A_110 : vector<16xf32>
        tpu.vector_store_idx %arg8[%parallel_loop3A_114], %parallel_loop3A_122 {add = true} : memref<10000xf32, #tpu.memory_space<vmem>>[vector<16xi32>], vector<16xf32>,
        %parallel_loop3A_123 = arith.mulf %parallel_loop3A_121, %parallel_loop3A_110 : vector<16xf32>
        tpu.vector_store_idx %arg9[%parallel_loop3A_114], %parallel_loop3A_123 {add = true} : memref<10000xf32, #tpu.memory_space<vmem>>[vector<16xi32>], vector<16xf32>,
        %parallel_loop3A_124 = tpu.vector_load_idx %arg7[%parallel_loop3A_111] : memref<10000xi32, #tpu.memory_space<vmem>>[vector<16xi32>], vector<16xi32>,
        %parallel_loop3A_125 = arith.constant 16 : i32
        %parallel_loop3A_126 = vector.broadcast %parallel_loop3A_125 : i32 to vector<16xi32>
        %parallel_loop3A_127 = arith.shli %parallel_loop3A_124, %parallel_loop3A_126 : vector<16xi32>
        %parallel_loop3A_128 = vector.bitcast %parallel_loop3A_127 : vector<16xi32> to vector<16xf32>
        %parallel_loop3A_129 = arith.andi %parallel_loop3A_124, %broadcast_in_dim3A_53 : vector<16xi32>
        %parallel_loop3A_130 = vector.bitcast %parallel_loop3A_129 : vector<16xi32> to vector<16xf32>
        %parallel_loop3A_131 = arith.mulf %parallel_loop3A_128, %parallel_loop3A_110 : vector<16xf32>
        tpu.vector_store_idx %arg10[%parallel_loop3A_114], %parallel_loop3A_131 {add = true} : memref<10000xf32, #tpu.memory_space<vmem>>[vector<16xi32>], vector<16xf32>,
        %parallel_loop3A_132 = arith.mulf %parallel_loop3A_130, %parallel_loop3A_110 : vector<16xf32>
        tpu.vector_store_idx %arg11[%parallel_loop3A_114], %parallel_loop3A_132 {add = true} : memref<10000xf32, #tpu.memory_space<vmem>>[vector<16xi32>], vector<16xf32>,
      } {sc.loop_unroll_factor = 4 : i64, sc.parallel_access}
      %add3A_89 = arith.constant 2 : i32
      %add3A_90 = arith.addi %mul3A_69, %add3A_89 : i32
      %lt3A = arith.constant 40 : i32
      %lt3A_91 = arith.cmpi slt, %add3A_90, %lt3A : i32
      %convert_element_type3A = arith.extui %lt3A_91 : i1 to i32
      %cond3A = arith.constant 0 : i32
      %cond3A_92 = arith.cmpi ne, %convert_element_type3A, %cond3A : i32
      scf.if %cond3A_92 {
        %add3A_104 = arith.constant 2 : i32
        %add3A_105 = arith.addi %mul3A_69, %add3A_104 : i32
        %mul3A_106 = arith.constant 8000 : i32
        %mul3A_107 = arith.muli %add3A_105, %mul3A_106 : i32
        %dma_start3A_108 = tpu.memref_slice %arg2[%mul3A_107] : memref<320000xi32, #tpu.memory_space<hbm>> -> memref<8000xi32, #tpu.memory_space<hbm>>
        %dma_start3A_109 = tpu.memref_slice %arg2[%mul3A_107] : memref<320000xi32, #tpu.memory_space<hbm>> -> memref<8000xi32, #tpu.memory_space<hbm>>
        tpu.enqueue_dma source(%dma_start3A_109 : memref<8000xi32, #tpu.memory_space<hbm>>) target(%arg12 : memref<8000xi32, #tpu.memory_space<vmem>>) target_semaphore(%arg16 : memref<!tpu.dma_semaphore, #tpu.memory_space<semaphore_mem>>)
        %dma_start3A_110 = tpu.memref_slice %arg3[%mul3A_107] : memref<320000xf32, #tpu.memory_space<hbm>> -> memref<8000xf32, #tpu.memory_space<hbm>>
        %dma_start3A_111 = tpu.memref_slice %arg3[%mul3A_107] : memref<320000xf32, #tpu.memory_space<hbm>> -> memref<8000xf32, #tpu.memory_space<hbm>>
        tpu.enqueue_dma source(%dma_start3A_111 : memref<8000xf32, #tpu.memory_space<hbm>>) target(%arg13 : memref<8000xf32, #tpu.memory_space<vmem>>) target_semaphore(%arg16 : memref<!tpu.dma_semaphore, #tpu.memory_space<semaphore_mem>>)
      } else {
      }
      %dma_wait3A_93 = arith.constant 0 : i32
      %dma_wait3A_94 = tpu.memref_slice %arg2[%dma_wait3A_93] : memref<320000xi32, #tpu.memory_space<hbm>> -> memref<8000xi32, #tpu.memory_space<hbm>>
      %dma_wait3A_95 = arith.constant 0 : i32
      %dma_wait3A_96 = tpu.memref_slice %arg2[%dma_wait3A_95] : memref<320000xi32, #tpu.memory_space<hbm>> -> memref<8000xi32, #tpu.memory_space<hbm>>
      tpu.wait_dma2 semaphore(%arg17 : memref<!tpu.dma_semaphore, #tpu.memory_space<semaphore_mem>>) src(%dma_wait3A_96 : memref<8000xi32, #tpu.memory_space<hbm>>) dst(%arg14 : memref<8000xi32, #tpu.memory_space<vmem>>)
      %dma_wait3A_97 = arith.constant 0 : i32
      %dma_wait3A_98 = tpu.memref_slice %arg3[%dma_wait3A_97] : memref<320000xf32, #tpu.memory_space<hbm>> -> memref<8000xf32, #tpu.memory_space<hbm>>
      %dma_wait3A_99 = arith.constant 0 : i32
      %dma_wait3A_100 = tpu.memref_slice %arg3[%dma_wait3A_99] : memref<320000xf32, #tpu.memory_space<hbm>> -> memref<8000xf32, #tpu.memory_space<hbm>>
      tpu.wait_dma2 semaphore(%arg17 : memref<!tpu.dma_semaphore, #tpu.memory_space<semaphore_mem>>) src(%dma_wait3A_100 : memref<8000xf32, #tpu.memory_space<hbm>>) dst(%arg15 : memref<8000xf32, #tpu.memory_space<vmem>>)
      %parallel_loop3A_101 = arith.constant 0 : i32
      %parallel_loop3A_102 = arith.constant 500 : i32
      %parallel_loop3A_103 = arith.constant 1 : i32
      scf.for %parallel_loop3A_104 = %parallel_loop3A_101 to %parallel_loop3A_102 step %parallel_loop3A_103  : i32 {
        %parallel_loop3A_105 = arith.constant 16 : i32
        %parallel_loop3A_106 = arith.muli %parallel_loop3A_104, %parallel_loop3A_105 : i32
        %parallel_loop3A_107 = arith.index_cast %parallel_loop3A_106 : i32 to index
        %parallel_loop3A_108 = tpu.vector_load %arg14[%parallel_loop3A_107] {strides = array<i32>} : memref<8000xi32, #tpu.memory_space<vmem>>, vector<16xi32>,
        %parallel_loop3A_109 = arith.index_cast %parallel_loop3A_106 : i32 to index
        %parallel_loop3A_110 = tpu.vector_load %arg15[%parallel_loop3A_109] {strides = array<i32>} : memref<8000xf32, #tpu.memory_space<vmem>>, vector<16xf32>,
        %parallel_loop3A_111 = arith.andi %parallel_loop3A_108, %broadcast_in_dim3A_51 : vector<16xi32>
        %parallel_loop3A_112 = arith.constant 14 : i32
        %parallel_loop3A_113 = vector.broadcast %parallel_loop3A_112 : i32 to vector<16xi32>
        %parallel_loop3A_114 = arith.shrui %parallel_loop3A_108, %parallel_loop3A_113 : vector<16xi32>
        %parallel_loop3A_115 = tpu.vector_load_idx %arg6[%parallel_loop3A_111] : memref<10000xi32, #tpu.memory_space<vmem>>[vector<16xi32>], vector<16xi32>,
        %parallel_loop3A_116 = arith.constant 16 : i32
        %parallel_loop3A_117 = vector.broadcast %parallel_loop3A_116 : i32 to vector<16xi32>
        %parallel_loop3A_118 = arith.shli %parallel_loop3A_115, %parallel_loop3A_117 : vector<16xi32>
        %parallel_loop3A_119 = vector.bitcast %parallel_loop3A_118 : vector<16xi32> to vector<16xf32>
        %parallel_loop3A_120 = arith.andi %parallel_loop3A_115, %broadcast_in_dim3A_53 : vector<16xi32>
        %parallel_loop3A_121 = vector.bitcast %parallel_loop3A_120 : vector<16xi32> to vector<16xf32>
        %parallel_loop3A_122 = arith.mulf %parallel_loop3A_119, %parallel_loop3A_110 : vector<16xf32>
        tpu.vector_store_idx %arg8[%parallel_loop3A_114], %parallel_loop3A_122 {add = true} : memref<10000xf32, #tpu.memory_space<vmem>>[vector<16xi32>], vector<16xf32>,
        %parallel_loop3A_123 = arith.mulf %parallel_loop3A_121, %parallel_loop3A_110 : vector<16xf32>
        tpu.vector_store_idx %arg9[%parallel_loop3A_114], %parallel_loop3A_123 {add = true} : memref<10000xf32, #tpu.memory_space<vmem>>[vector<16xi32>], vector<16xf32>,
        %parallel_loop3A_124 = tpu.vector_load_idx %arg7[%parallel_loop3A_111] : memref<10000xi32, #tpu.memory_space<vmem>>[vector<16xi32>], vector<16xi32>,
        %parallel_loop3A_125 = arith.constant 16 : i32
        %parallel_loop3A_126 = vector.broadcast %parallel_loop3A_125 : i32 to vector<16xi32>
        %parallel_loop3A_127 = arith.shli %parallel_loop3A_124, %parallel_loop3A_126 : vector<16xi32>
        %parallel_loop3A_128 = vector.bitcast %parallel_loop3A_127 : vector<16xi32> to vector<16xf32>
        %parallel_loop3A_129 = arith.andi %parallel_loop3A_124, %broadcast_in_dim3A_53 : vector<16xi32>
        %parallel_loop3A_130 = vector.bitcast %parallel_loop3A_129 : vector<16xi32> to vector<16xf32>
        %parallel_loop3A_131 = arith.mulf %parallel_loop3A_128, %parallel_loop3A_110 : vector<16xf32>
        tpu.vector_store_idx %arg10[%parallel_loop3A_114], %parallel_loop3A_131 {add = true} : memref<10000xf32, #tpu.memory_space<vmem>>[vector<16xi32>], vector<16xf32>,
        %parallel_loop3A_132 = arith.mulf %parallel_loop3A_130, %parallel_loop3A_110 : vector<16xf32>
        tpu.vector_store_idx %arg11[%parallel_loop3A_114], %parallel_loop3A_132 {add = true} : memref<10000xf32, #tpu.memory_space<vmem>>[vector<16xi32>], vector<16xf32>,
      } {sc.loop_unroll_factor = 4 : i64, sc.parallel_access}
    }
    %scan3A_58 = arith.constant 20 : i32
    %mul3A_59 = arith.constant 10000 : i32
    %mul3A_60 = arith.muli %add3A_10, %mul3A_59 : i32
    "tpu.region"() ({
      %run_scoped3A = tpu.sem_alloc : memref<!tpu.dma_semaphore, #tpu.memory_space<semaphore_mem>>
      %dma_start3A_67 = tpu.memref_slice %arg5[%mul3A_60] : memref<1280000xf32, #tpu.memory_space<hbm>> -> memref<10000xf32, #tpu.memory_space<hbm>>
      %dma_start3A_68 = tpu.memref_slice %arg5[%mul3A_60] : memref<1280000xf32, #tpu.memory_space<hbm>> -> memref<10000xf32, #tpu.memory_space<hbm>>
      tpu.enqueue_dma source(%arg8 : memref<10000xf32, #tpu.memory_space<vmem>>) target(%dma_start3A_68 : memref<10000xf32, #tpu.memory_space<hbm>>) target_semaphore(%run_scoped3A : memref<!tpu.dma_semaphore, #tpu.memory_space<semaphore_mem>>)
      %dma_wait3A_69 = tpu.memref_slice %arg5[%mul3A_60] : memref<1280000xf32, #tpu.memory_space<hbm>> -> memref<10000xf32, #tpu.memory_space<hbm>>
      %dma_wait3A_70 = tpu.memref_slice %arg5[%mul3A_60] : memref<1280000xf32, #tpu.memory_space<hbm>> -> memref<10000xf32, #tpu.memory_space<hbm>>
      tpu.wait_dma2 semaphore(%run_scoped3A : memref<!tpu.dma_semaphore, #tpu.memory_space<semaphore_mem>>) src(%arg8 : memref<10000xf32, #tpu.memory_space<vmem>>) dst(%dma_wait3A_70 : memref<10000xf32, #tpu.memory_space<hbm>>)
      tpu.yield
    }) : () -> ()
    %mul3A_61 = arith.constant 10000 : i32
    %mul3A_62 = arith.muli %add3A_16, %mul3A_61 : i32
    "tpu.region"() ({
      %run_scoped3A = tpu.sem_alloc : memref<!tpu.dma_semaphore, #tpu.memory_space<semaphore_mem>>
      %dma_start3A_67 = tpu.memref_slice %arg5[%mul3A_62] : memref<1280000xf32, #tpu.memory_space<hbm>> -> memref<10000xf32, #tpu.memory_space<hbm>>
      %dma_start3A_68 = tpu.memref_slice %arg5[%mul3A_62] : memref<1280000xf32, #tpu.memory_space<hbm>> -> memref<10000xf32, #tpu.memory_space<hbm>>
      tpu.enqueue_dma source(%arg9 : memref<10000xf32, #tpu.memory_space<vmem>>) target(%dma_start3A_68 : memref<10000xf32, #tpu.memory_space<hbm>>) target_semaphore(%run_scoped3A : memref<!tpu.dma_semaphore, #tpu.memory_space<semaphore_mem>>)
      %dma_wait3A_69 = tpu.memref_slice %arg5[%mul3A_62] : memref<1280000xf32, #tpu.memory_space<hbm>> -> memref<10000xf32, #tpu.memory_space<hbm>>
      %dma_wait3A_70 = tpu.memref_slice %arg5[%mul3A_62] : memref<1280000xf32, #tpu.memory_space<hbm>> -> memref<10000xf32, #tpu.memory_space<hbm>>
      tpu.wait_dma2 semaphore(%run_scoped3A : memref<!tpu.dma_semaphore, #tpu.memory_space<semaphore_mem>>) src(%arg9 : memref<10000xf32, #tpu.memory_space<vmem>>) dst(%dma_wait3A_70 : memref<10000xf32, #tpu.memory_space<hbm>>)
      tpu.yield
    }) : () -> ()
    %mul3A_63 = arith.constant 10000 : i32
    %mul3A_64 = arith.muli %add3A_22, %mul3A_63 : i32
    "tpu.region"() ({
      %run_scoped3A = tpu.sem_alloc : memref<!tpu.dma_semaphore, #tpu.memory_space<semaphore_mem>>
      %dma_start3A_67 = tpu.memref_slice %arg5[%mul3A_64] : memref<1280000xf32, #tpu.memory_space<hbm>> -> memref<10000xf32, #tpu.memory_space<hbm>>
      %dma_start3A_68 = tpu.memref_slice %arg5[%mul3A_64] : memref<1280000xf32, #tpu.memory_space<hbm>> -> memref<10000xf32, #tpu.memory_space<hbm>>
      tpu.enqueue_dma source(%arg10 : memref<10000xf32, #tpu.memory_space<vmem>>) target(%dma_start3A_68 : memref<10000xf32, #tpu.memory_space<hbm>>) target_semaphore(%run_scoped3A : memref<!tpu.dma_semaphore, #tpu.memory_space<semaphore_mem>>)
      %dma_wait3A_69 = tpu.memref_slice %arg5[%mul3A_64] : memref<1280000xf32, #tpu.memory_space<hbm>> -> memref<10000xf32, #tpu.memory_space<hbm>>
      %dma_wait3A_70 = tpu.memref_slice %arg5[%mul3A_64] : memref<1280000xf32, #tpu.memory_space<hbm>> -> memref<10000xf32, #tpu.memory_space<hbm>>
      tpu.wait_dma2 semaphore(%run_scoped3A : memref<!tpu.dma_semaphore, #tpu.memory_space<semaphore_mem>>) src(%arg10 : memref<10000xf32, #tpu.memory_space<vmem>>) dst(%dma_wait3A_70 : memref<10000xf32, #tpu.memory_space<hbm>>)
      tpu.yield
    }) : () -> ()
    %mul3A_65 = arith.constant 10000 : i32
    %mul3A_66 = arith.muli %add3A_28, %mul3A_65 : i32
    "tpu.region"() ({
      %run_scoped3A = tpu.sem_alloc : memref<!tpu.dma_semaphore, #tpu.memory_space<semaphore_mem>>
      %dma_start3A_67 = tpu.memref_slice %arg5[%mul3A_66] : memref<1280000xf32, #tpu.memory_space<hbm>> -> memref<10000xf32, #tpu.memory_space<hbm>>
      %dma_start3A_68 = tpu.memref_slice %arg5[%mul3A_66] : memref<1280000xf32, #tpu.memory_space<hbm>> -> memref<10000xf32, #tpu.memory_space<hbm>>
      tpu.enqueue_dma source(%arg11 : memref<10000xf32, #tpu.memory_space<vmem>>) target(%dma_start3A_68 : memref<10000xf32, #tpu.memory_space<hbm>>) target_semaphore(%run_scoped3A : memref<!tpu.dma_semaphore, #tpu.memory_space<semaphore_mem>>)
      %dma_wait3A_69 = tpu.memref_slice %arg5[%mul3A_66] : memref<1280000xf32, #tpu.memory_space<hbm>> -> memref<10000xf32, #tpu.memory_space<hbm>>
      %dma_wait3A_70 = tpu.memref_slice %arg5[%mul3A_66] : memref<1280000xf32, #tpu.memory_space<hbm>> -> memref<10000xf32, #tpu.memory_space<hbm>>
      tpu.wait_dma2 semaphore(%run_scoped3A : memref<!tpu.dma_semaphore, #tpu.memory_space<semaphore_mem>>) src(%arg11 : memref<10000xf32, #tpu.memory_space<vmem>>) dst(%dma_wait3A_70 : memref<10000xf32, #tpu.memory_space<hbm>>)
      tpu.yield
    }) : () -> ()
    return
  }
}

module attributes {stable_mosaic.version = 14 : i64} {
  func.func @body(%arg0: memref<128x10000xf32, #tpu.memory_space<vmem>>, %arg1: memref<64x128xf32, #tpu.memory_space<vmem>>, %arg2: memref<64x128xf32, #tpu.memory_space<vmem>>, %arg3: memref<64x1xf32, #tpu.memory_space<vmem>>, %arg4: memref<64x1xf32, #tpu.memory_space<vmem>>, %arg5: memref<64x10000xi32, #tpu.memory_space<vmem>>) attributes {dimension_semantics = [], scalar_prefetch = 0 : i64, scratch_operands = 0 : i64, tpu.core_type = #tpu.core_type<tc>} {
    %get3A = arith.constant 0 : index
    %get3A_0 = arith.constant 0 : index
    %get3A_1 = vector.load %arg1[%get3A, %get3A_0] : memref<64x128xf32, #tpu.memory_space<vmem>>, vector<64x128xf32>
    %get3A_2 = arith.constant 0 : index
    %get3A_3 = arith.constant 0 : index
    %get3A_4 = vector.load %arg0[%get3A_2, %get3A_3] : memref<128x10000xf32, #tpu.memory_space<vmem>>, vector<128x10000xf32>
    %dot_general3A = arith.constant dense<0.000000e+00> : vector<64x10000xf32>
    %dot_general3A_5 = tpu.matmul %get3A_1, %get3A_4, %dot_general3A {dimension_numbers = #tpu.dot_dimension_numbers<[1], [0], [0], [1], [0, 0, 1, 1], [], []>, transpose_lhs_hint = false} : vector<64x128xf32>, vector<128x10000xf32>, vector<64x10000xf32> -> vector<64x10000xf32>
    %get3A_6 = arith.constant 0 : index
    %get3A_7 = arith.constant 0 : index
    %get3A_8 = vector.load %arg3[%get3A_6, %get3A_7] : memref<64x1xf32, #tpu.memory_space<vmem>>, vector<64x1xf32>
    %add3A = vector.broadcast %get3A_8 : vector<64x1xf32> to vector<64x10000xf32>
    %add3A_9 = arith.addf %dot_general3A_5, %add3A : vector<64x10000xf32>
    %max3A = arith.constant 0.000000e+00 : f32
    %max3A_10 = vector.broadcast %max3A : f32 to vector<64x10000xf32>
    %max3A_11 = arith.maximumf %add3A_9, %max3A_10 : vector<64x10000xf32>
    %get3A_12 = arith.constant 0 : index
    %get3A_13 = arith.constant 0 : index
    %get3A_14 = vector.load %arg2[%get3A_12, %get3A_13] : memref<64x128xf32, #tpu.memory_space<vmem>>, vector<64x128xf32>
    %get3A_15 = arith.constant 0 : index
    %get3A_16 = arith.constant 0 : index
    %get3A_17 = vector.load %arg0[%get3A_15, %get3A_16] : memref<128x10000xf32, #tpu.memory_space<vmem>>, vector<128x10000xf32>
    %dot_general3A_18 = arith.constant dense<0.000000e+00> : vector<64x10000xf32>
    %dot_general3A_19 = tpu.matmul %get3A_14, %get3A_17, %dot_general3A_18 {dimension_numbers = #tpu.dot_dimension_numbers<[1], [0], [0], [1], [0, 0, 1, 1], [], []>, transpose_lhs_hint = false} : vector<64x128xf32>, vector<128x10000xf32>, vector<64x10000xf32> -> vector<64x10000xf32>
    %get3A_20 = arith.constant 0 : index
    %get3A_21 = arith.constant 0 : index
    %get3A_22 = vector.load %arg4[%get3A_20, %get3A_21] : memref<64x1xf32, #tpu.memory_space<vmem>>, vector<64x1xf32>
    %add3A_23 = vector.broadcast %get3A_22 : vector<64x1xf32> to vector<64x10000xf32>
    %add3A_24 = arith.addf %dot_general3A_19, %add3A_23 : vector<64x10000xf32>
    %max3A_25 = arith.constant 0.000000e+00 : f32
    %max3A_26 = vector.broadcast %max3A_25 : f32 to vector<64x10000xf32>
    %max3A_27 = arith.maximumf %add3A_24, %max3A_26 : vector<64x10000xf32>
    %bitcast_convert_type3A = tpu.bitcast %max3A_11 : vector<64x10000xf32> -> vector<64x10000xi32>
    %bitcast_convert_type3A_28 = tpu.bitcast %max3A_27 : vector<64x10000xf32> -> vector<64x10000xi32>
    %add3A_29 = arith.constant 32768 : i32
    %add3A_30 = vector.broadcast %add3A_29 : i32 to vector<64x10000xi32>
    %add3A_31 = arith.addi %bitcast_convert_type3A, %add3A_30 : vector<64x10000xi32>
    %shift_right_logical3A = arith.constant 16 : i32
    %shift_right_logical3A_32 = vector.broadcast %shift_right_logical3A : i32 to vector<64x10000xi32>
    %shift_right_logical3A_33 = arith.shrui %add3A_31, %shift_right_logical3A_32 : vector<64x10000xi32>
    %add3A_34 = arith.constant 32768 : i32
    %add3A_35 = vector.broadcast %add3A_34 : i32 to vector<64x10000xi32>
    %add3A_36 = arith.addi %bitcast_convert_type3A_28, %add3A_35 : vector<64x10000xi32>
    %and3A = arith.constant -65536 : i32
    %and3A_37 = vector.broadcast %and3A : i32 to vector<64x10000xi32>
    %and3A_38 = arith.andi %add3A_36, %and3A_37 : vector<64x10000xi32>
    %or3A = arith.ori %and3A_38, %shift_right_logical3A_33 : vector<64x10000xi32>
    %bitcast_convert_type3A_39 = tpu.bitcast %or3A : vector<64x10000xi32> -> vector<64x10000xi32>
    %swap3A = arith.constant 0 : index
    %swap3A_40 = arith.constant 0 : index
    %swap3A_41 = vector.load %arg5[%swap3A, %swap3A_40] : memref<64x10000xi32, #tpu.memory_space<vmem>>, vector<64x10000xi32>
    tpu.vector_store %arg5[%swap3A, %swap3A_40], %bitcast_convert_type3A_39 {strides = array<i32>} : memref<64x10000xi32, #tpu.memory_space<vmem>>, vector<64x10000xi32>,
    return
  }
}

module attributes {stable_mosaic.version = 14 : i64} {
  func.func @body(%arg0: memref<128x10000xf32, #tpu.memory_space<vmem>>, %arg1: memref<128x128xf32, #tpu.memory_space<vmem>>, %arg2: memref<1x128xf32, #tpu.memory_space<vmem>>, %arg3: memref<10000x128xf32, #tpu.memory_space<vmem>>) attributes {dimension_semantics = [], scalar_prefetch = 0 : i64, scratch_operands = 0 : i64, tpu.core_type = #tpu.core_type<tc>} {
    %get3A = arith.constant 0 : index
    %get3A_0 = arith.constant 0 : index
    %get3A_1 = vector.load %arg0[%get3A, %get3A_0] : memref<128x10000xf32, #tpu.memory_space<vmem>>, vector<128x10000xf32>
    %get3A_2 = arith.constant 0 : index
    %get3A_3 = arith.constant 0 : index
    %get3A_4 = vector.load %arg1[%get3A_2, %get3A_3] : memref<128x128xf32, #tpu.memory_space<vmem>>, vector<128x128xf32>
    %dot_general3A = arith.constant dense<0.000000e+00> : vector<10000x128xf32>
    %dot_general3A_5 = tpu.matmul %get3A_1, %get3A_4, %dot_general3A {dimension_numbers = #tpu.dot_dimension_numbers<[0], [1], [1], [0], [0, 1, 1, 0], [], []>, transpose_lhs_hint = false} : vector<128x10000xf32>, vector<128x128xf32>, vector<10000x128xf32> -> vector<10000x128xf32>
    %get3A_6 = arith.constant 0 : index
    %get3A_7 = arith.constant 0 : index
    %get3A_8 = vector.load %arg2[%get3A_6, %get3A_7] : memref<1x128xf32, #tpu.memory_space<vmem>>, vector<1x128xf32>
    %add3A = vector.broadcast %get3A_8 : vector<1x128xf32> to vector<10000x128xf32>
    %add3A_9 = arith.addf %dot_general3A_5, %add3A : vector<10000x128xf32>
    %max3A = arith.constant 0.000000e+00 : f32
    %max3A_10 = vector.broadcast %max3A : f32 to vector<10000x128xf32>
    %max3A_11 = arith.maximumf %add3A_9, %max3A_10 : vector<10000x128xf32>
    %swap3A = arith.constant 0 : index
    %swap3A_12 = arith.constant 0 : index
    %swap3A_13 = vector.load %arg3[%swap3A, %swap3A_12] : memref<10000x128xf32, #tpu.memory_space<vmem>>, vector<10000x128xf32>
    tpu.vector_store %arg3[%swap3A, %swap3A_12], %max3A_11 {strides = array<i32>} : memref<10000x128xf32, #tpu.memory_space<vmem>>, vector<10000x128xf32>,
    return
  }
}

</mosaic_0001>

<sc_bundles>
// kernel: kernel.6.cloned.1.call-start
scs
__scs_entry_jumppad:
0x0: {  	(pc) =	sbr.rel $0x88, $3  }
0x1: {  	(tag) =	ssettag $0x0;
	lr =	simm.s32 $0x1  }
0x2: {  	[smem:$0x3F9A] =	sst lr;
	_ =	strace $0xD0000000  }
0x3: {  	_ = 	snop  }
0x4: {  	_ = 	snop  }
0x5: {  	_ = 	snop  }
0x6: {  	_ = 	snop  }
0x7: {  	_ = 	snop  }
__scs_overlays_trampoline_lowered:
0x8: {  	[smem:$0x3FA9] =	sst s0  }
0x9: {  	[smem:$0x3FAA] =	sst s1  }
0xa: {  	[smem:$0x3FAB] =	sst s2  }
0xb: {  	[smem:$0x3FAC] =	sst s3  }
0xc: {  	[smem:$0x3FAD] =	sst s4  }
0xd: {  	[smem:$0x3FAE] =	sst s5  }
0xe: {  	[smem:$0x3FAF] =	sst s6  }
0xf: {  	[smem:$0x3FB0] =	sst s7  }
0x10: {  	[smem:$0x3FB1] =	sst s8  }
0x11: {  	[smem:$0x3FB2] =	sst s9;
	s0 =	simm.s32 @!p0 $0x0  }
0x12: {  	s1 =	sld [smem:$0x3F98];
	s0 =	simm.s32 @p0 $0x1  }
0x13: {  	[smem:$0x3FB3] =	sst s0;
	s0 =	simm.s32 @!p1 $0x0  }
0x14: {  	s2 =	sld [smem:$0x3F97];
	s0 =	simm.s32 @p1 $0x1  }
0x15: {  	[smem:$0x3FB4] =	sst s0;
	s0 =	simm.s32 @!p2 $0x0  }
0x16: {  	s3 =	sld [smem:$0x3FDB];
	s0 =	simm.s32 @p2 $0x1  }
0x17: {  	s4 =	simm.s32 $0x1BF5;
	[smem:$0x3FB6] =	sst s0  }
0x18: {  	s0 =	sld [smem:$0x3F99];
	_ =	swait.ge [sflag:s4], $0x0  }
0x19: {  	s7 =	sld [smem:$0x3F9A]  }
0x1a: {  	s8 =	sadd.s32 $0xFFFFE003, lr  }
0x1b: {  	s9 =	sadd.s32 $0xFFFFFEF7, lr;
	s5 =	simm.s32 $0xFFFFFFFF;
	p2 =	slt.u32 s8, $0xFFFFF086  }
0x1c: {  	p1 =	slt.u32 s9, $0xF7A;
	s5 =	simm.s32 @!p2 $0x0  }
0x1d: {  	s5 =	simm.s32 @p1 $0x1;
	p0 =	seq.s32 s7, s2  }
0x1e: {  	s7 =	smul.u32 @!p0 $0xF7A, s2;
	p2 =	seq.s32 @!p0 s5, $0x0  }
0x1f: {  	s9 =	smul.u32 $0xF7A, s1;
	s8 =	simm.s32 @!p0 $0x1BF5;
	p2 =	por !p2, p0  }
0x20: {  	[sflag:s8] =	ssyncset.s32 @!p0 $0xFFFFF086;
	s6 =	sadd.s32 @!p0 s3, s7;
	s7 =	simm.s32 @!p0 $0x108  }
0x21: {  	s3 =	sadd.s32 s3, s9;
	s6 =	sadd.s32 @!p0 $0x88, s6;
	s7 =	simm.s32 @p2 $0x1082  }
0x22: {  	[simem:s7], [sflag:s8] =	dma.local @!p0 [hbm:s6], $0xF7A  }
0x23: {  	s9 =	sor.u32 $0xD0000000, s2;
	s6 =	simm.s32 $0x108;
	_ =	swait.ge @!p0 [sflag:s8], $0x0  }
0x24: {  	s3 =	sadd.s32 $0x88, s3;
	s6 =	simm.s32 @!p1 $0x1082;
	[sflag:s4] =	ssyncset.s32 $0xFFFFF086  }
0x25: {  	[simem:s6], [sflag:s4] =	dma.local [hbm:s3], $0xF7A  }
0x26: {  	[smem:$0x3F9A] =	sst s1;
	(tag) =	ssettag s2;
	_ =	strace s9  }
0x27: {  	s1 =	sld [smem:$0x3FAA]  }
0x28: {  	s2 =	sld [smem:$0x3FAB]  }
0x29: {  	s4 =	sld [smem:$0x3FAD]  }
0x2a: {  	p0 =	seq.s32 s5, $0x0;
	s5 =	sld [smem:$0x3FAE]  }
0x2b: {  	s6 =	sld [smem:$0x3FAF]  }
0x2c: {  	s7 =	sld [smem:$0x3FB0]  }
0x2d: {  	s3 =	simm.s32 $0x108;
	s8 =	sld [smem:$0x3FB1]  }
0x2e: {  	s3 =	simm.s32 @!p0 $0x1082;
	s9 =	sld [smem:$0x3FB2]  }
0x2f: {  	lr =	sadd.s32 s0, s3;
	s0 =	sld [smem:$0x3FA9]  }
0x30: {  	s3 =	sld [smem:$0x3FAC]  }
0x31: {  	[smem:$0x3FB5] =	sst s10  }
0x32: {  	s10 =	sld [smem:$0x3FB3];
	_ =	sdelay $0x3  }
0x33: {  	p0 =	seq.s32 s10, $0x1;
	s10 =	sld [smem:$0x3FB5];
	_ =	sdelay $0x3  }
0x34: {  	[smem:$0x3FB5] =	sst s10  }
0x35: {  	s10 =	sld [smem:$0x3FB4];
	_ =	sdelay $0x3  }
0x36: {  	p1 =	seq.s32 s10, $0x1;
	s10 =	sld [smem:$0x3FB5];
	_ =	sdelay $0x3  }
0x37: {  	[smem:$0x3FB5] =	sst s10  }
0x38: {  	s10 =	sld [smem:$0x3FB6]  }
0x39: {  	_ = 	snop;
	(pc) =	sbr.ind lr, $3  }
0x3a: {  	_ = 	snop  }
0x3b: {  	_ = 	snop  }
0x3c: {  	p2 =	seq.s32 s10, $0x1;
	s10 =	sld [smem:$0x3FB5]  }
0x3d: {  	_ =	shalt  }
0x3e: {  	_ =	shalt  }
0x3f: {  	_ =	shalt  }
0x40: {  	_ =	shalt  }
0x41: {  	_ =	shalt  }
0x42: {  	_ =	shalt  }
0x43: {  	_ =	shalt  }
0x44: {  	_ =	shalt  }
0x45: {  	_ =	shalt  }
0x46: {  	_ =	shalt  }
0x47: {  	_ =	shalt  }
0x48: {  	_ =	shalt  }
0x49: {  	_ =	shalt  }
0x4a: {  	_ =	shalt  }
0x4b: {  	_ =	shalt  }
0x4c: {  	_ =	shalt  }
0x4d: {  	_ =	shalt  }
0x4e: {  	_ =	shalt  }
0x4f: {  	_ =	shalt  }
0x50: {  	_ =	shalt  }
0x51: {  	_ =	shalt  }
0x52: {  	_ =	shalt  }
0x53: {  	_ =	shalt  }
0x54: {  	_ =	shalt  }
0x55: {  	_ =	shalt  }
0x56: {  	_ =	shalt  }
0x57: {  	_ =	shalt  }
0x58: {  	_ =	shalt  }
0x59: {  	_ =	shalt  }
0x5a: {  	_ =	shalt  }
0x5b: {  	_ =	shalt  }
0x5c: {  	_ =	shalt  }
0x5d: {  	_ =	shalt  }
0x5e: {  	_ =	shalt  }
0x5f: {  	_ =	shalt  }
0x60: {  	_ =	shalt  }
0x61: {  	_ =	shalt  }
0x62: {  	_ =	shalt  }
0x63: {  	_ =	shalt  }
0x64: {  	_ =	shalt  }
0x65: {  	_ =	shalt  }
0x66: {  	_ =	shalt  }
0x67: {  	_ =	shalt  }
0x68: {  	_ =	shalt  }
0x69: {  	_ =	shalt  }
0x6a: {  	_ =	shalt  }
0x6b: {  	_ =	shalt  }
0x6c: {  	_ =	shalt  }
0x6d: {  	_ =	shalt  }
0x6e: {  	_ =	shalt  }
0x6f: {  	_ =	shalt  }
0x70: {  	_ =	shalt  }
0x71: {  	_ =	shalt  }
0x72: {  	_ =	shalt  }
0x73: {  	_ =	shalt  }
0x74: {  	_ =	shalt  }
0x75: {  	_ =	shalt  }
0x76: {  	_ =	shalt  }
0x77: {  	_ =	shalt  }
0x78: {  	_ =	shalt  }
0x79: {  	_ =	shalt  }
0x7a: {  	_ =	shalt  }
0x7b: {  	_ =	shalt  }
0x7c: {  	_ =	shalt  }
0x7d: {  	_ =	shalt  }
0x7e: {  	_ =	shalt  }
0x7f: {  	_ =	shalt  }
0x80: {  	_ =	shalt  }
0x81: {  	_ =	shalt  }
0x82: {  	_ =	shalt  }
0x83: {  	_ =	shalt  }
0x84: {  	_ =	shalt  }
0x85: {  	_ =	shalt  }
0x86: {  	_ =	shalt  }
0x87: {  	_ =	shalt  }
.Lfunc_end0:
.L_simem_size_0:
called_computation_lowered:
.L_overlay_start_0:
0x88: {  	s2 =	sld [smem:$0x3FD9]  }
0x89: {  	s3 =	sld [smem:$0x3FFE];
	_ =	sdelay $0x1  }
0x8a: {  	s1 =	srdreg.scid  }
0x8b: {  	s0 =	sand.u32 $0x1, s1  }
0x8c: {  	s17 =	sshll.u32 s0, $0xA;
	s2 =	sadd.s32 s3, s2  }
0x8d: {  	s2 =	sadd.s32 s2, s17  }
0x8e: {  	[smem:$0x3FC1] =	sst s2  }
0x8f: {  	_ = 	snop  }
0x90: {  	s2 =	sld [smem:$0x3FC8]  }
0x91: {  	s18 =	sld [smem:$0x3FD0];
	(tm) =	ssettm $0x1  }
0x92: {  	s4 =	sld [smem:$0x3FFB];
	_ =	sdelay $0x3  }
0x93: {  	_ =	strace s4  }
0x94: {  	s4 =	sld [smem:$0x3FFC];
	_ =	sdelay $0x3  }
0x95: {  	_ =	strace s4  }
0x96: {  	s4 =	sld [smem:$0x3FFD];
	_ =	sdelay $0x3  }
0x97: {  	_ =	strace s4  }
0x98: {  	_ =	strace $0x8FFFFFFF  }
0x99: {  	s19 =	sld [smem:$0x3FDB];
	_ =	sdelay $0x1  }
0x9a: {  	s5 =	simm.s32 $_scs_section_size  }
0x9b: {  	s6 =	simm.s32 $_size__tile_overlayer_lowered;
	s7 =	simm.s32 $_tile_overlayer_lowered  }
0x9c: {  	s22 =	simm.s32 $0x1BFF;
	s21 =	sshll.u32 s7, $0x1;
	s4 =	sadd.s32 s5, s19  }
0x9d: {  	s8 =	simm.s32 $0x0;
	s20 =	sshll.u32 s6, $0x1;
	s6 =	sadd.s32 s21, s4  }
0x9e: {  	[timem:s8], [sflag:s22] =	dma.local [hbm:s6], s20  }
0x9f: {  	_ =	swait.ge [sflag:s22], s20  }
0xa0: {  	s5 =	ssub.s32 $0x0, s20;
	[sflag:s22] =	ssyncset.done $0x0  }
0xa1: {  	[sflag:s22] =	ssyncadd.s32 s5;
	_ =	sdelay $0x1  }
0xa2: {  	s23 =	simm.s32 $0x1B8B  }
0xa3: {  	_ =	swait.ge [sflag:s23], $0x1  }
0xa4: {  	[sflag:s23] =	ssyncset.done $0x0  }
0xa5: {  	s25 =	simm.s32 $0x1B8E;
	s24 =	sld [smem:$0x3FFE];
	[sflag:s23] =	ssyncadd.s32 $0xFFFFFFFF  }
0xa6: {  	s26 =	simm.s32 $execute0_lowered;
	[smem:$0x3FD2] =	sst s25  }
0xa7: {  	s6 =	sshll.u32 s26, $0x1;
	_ =	strace $0x80000046;
	[dreg:$0x1] =	wrdreg $0xFFFFFFFF  }
0xa8: {  	s28 =	simm.s32 $_size_execute0_lowered;
	s4 =	sadd.s32 s4, s6;
	[dreg:$0x0] =	wrdreg $0x0  }
0xa9: {  	s6 =	sshll.u32 s28, $0x1;
	[dreg:$0x2] =	wrdreg s4  }
0xaa: {  	[dreg:$0x3] =	wrdreg s6  }
0xab: {  	[dreg:$0x4] =	wrdreg $0xC0  }
0xac: {  	_ =	task [dreg:s8], $0x5FFFF  }
0xad: {  	[dreg:$0x1] =	wrdreg $0xFFFFFFFF  }
0xae: {  	[dreg:$0x0] =	wrdreg $0x60  }
0xaf: {  	[dreg:$0x2] =	wrdreg s24  }
0xb0: {  	[dreg:$0x3] =	wrdreg s2  }
0xb1: {  	[dreg:$0x4] =	wrdreg s18  }
0xb2: {  	[dreg:$0x5] =	wrdreg $0x9  }
0xb3: {  	_ =	task.clear_ibuf [dreg:s8], $0x6FFFF;
	_ =	strace $0x90000046  }
0xb4: {  	s29 =	simm.s32 $0x9;
	_ =	strace $0x80000048  }
0xb5: {  	_ =	swait.ge [sflag:s29], $0x1  }
0xb6: {  	[sflag:s29] =	ssyncadd.s32 $0xFFFFFFFF  }
0xb7: {  	_ =	strace $0x90000048  }
0xb8: {  	_ =	sfence  }
0xb9: {  	s30 =	sld [smem:$0x0];
	_ =	sdelay $0x2  }
0xba: {  	s31 =	sshll.u32 s1, $0xD;
	s1 =	sshrl.u32 s1, $0x2  }
0xbb: {  	s3 =	sand.u32 $0x4000, s31;
	s1 =	sadd.s32 s1, s30  }
0xbc: {  	s0 =	sor.u32 s3, s0;
	s1 =	sshll.u32 s1, $0x11  }
0xbd: {  	s0 =	sor.u32 s1, s0  }
0xbe: {  	s0 =	sadd.s32 $0x8F2B, s0  }
0xbf: {  	[sflag:s0] =	ssyncadd.remote.s32 $0x1  }
0xc0: {  	_ =	sfence.sel $0xFFFF  }
0xc1: {  	[dreg:$0x0] =	wrdreg $0xFFFFFFFF;
	(pc) =	sbr.abs _section_cstart, $3  }
0xc2: {  	[dreg:$0x1] =	wrdreg $0xFFFFFFFF  }
0xc3: {  	_ =	task.clear_ibuf [dreg:s8], $0x2FFFF;
	_ =	strace $0x9FFFFFFF  }
0xc4: {  	(tm) =	ssettm $0x7FFFFFFF  }
0xc5: {  	_ =	shalt  }
tec
execute0_lowered:
.L_overlay_start_1:
0x0: {  	(tag) =	ssettag $0x1  }
0x1: {  	s0 =	rddreg [dreg:$0x0]  }
0x2: {  	s2 =	rddreg [dreg:$0x1]  }
0x3: {  	s1 =	srdreg.scid;
	s3 =	stileid.u32  }
0x4: {  	s9 =	rddreg [dreg:$0x2];
	s12 =	simm.s32 $0x2780;
	s13 =	simm.s32 $0xED00  }
0x5: {  	s14 =	simm.s32 $0x10C80;
	s15 =	simm.s32 $0x3;
	s16 =	simm.s32 $0x12C00  }
0x6: {  	s17 =	simm.s32 $0x14B80;
	s18 =	simm.s32 $0x1;
	s19 =	simm.s32 $0x4F00  }
0x7: {  	s20 =	simm.s32 $0x7680;
	s21 =	simm.s32 $0x9E00;
	s22 =	simm.s32 $0xC580  }
0x8: {  	s23 =	simm.s32 $0x2;
	s1 =	sand.u32 $0x1, s1;
	s4 =	sshll.u32 s3, $0x1  }
0x9: {  	s24 =	simm.s32 $0x4;
	s3 =	simm.s32 $0x0;
	s4 =	sor.u32 s1, s4  }
0xa: {  	[smem:$0x7FF] =	sst s3;
	s1 =	ssub.s32 $0x2, s1;
	s5 =	smul.u32 $0x4E20, s4  }
0xb: {  	s25 =	simm.s32 $0x0;
	_ =	strace $0x80000047;
	s6 =	sshrl.u32 s1, $0x1  }
0xc: {  	s4 =	sadd.s32 $0x1000, s0;
	s1 =	ssub.s32 s1, s6;
	s7 =	sshrl.u32 s5, $0x3  }
0xd: {  	s0 =	sadd.s32 $0xAE00, s0;
	s11 =	smax.u32 s1, $0x1;
	s10 =	sadd.s32 $0x4E2, s7  }
0xe: {  	s5 =	sadd.s32 s0, s7;
	s7 =	sadd.s32 s9, s7;
	s6 =	sadd.s32 s0, s10  }
0xf: {  	v0 =	vimm.f32 $0.0e+00;
	s8 =	sadd.s32 $0x13880, s7;
	s9 =	sadd.s32 s9, s10;
	s10 =	sadd.s32 $0x13D62, s7  }
.LBB2_1:
0x10: {  	[tilespmem:s3], [sflag:$0x3] =	stream.linear.gather [hbm4b:s5+s3], $0x2710, $0x38;
	[tilespmem:$0x16B00] =	vst v63  }
0x11: {  	_ = 	snop  }
0x12: {  	[tilespmem:s12], [sflag:$0x3] =	stream.linear.gather [hbm4b:s6+s3], $0x2710, $0x38;
	[tilespmem:$0x16B00] =	vst v63  }
0x13: {  	_ = 	snop  }
0x14: {  	[tilespmem:s13], [sflag:$0x1] =	stream.linear.gather [hbm4b:s4+s3], $0x1F40, $0x38;
	[tilespmem:$0x16B00] =	vst v63  }
0x15: {  	s29 =	simm.s32 $0x4F40  }
0x16: {  	[tilespmem:s14], [sflag:$0x1] =	stream.linear.gather [hbm4b:s2+s3], $0x1F40, $0x38;
	[tilespmem:$0x16B00] =	vst v63  }
0x17: {  	[tilespmem:s29+$0x30] =	vst v0  }
0x18: {  	[tilespmem:s29+$0xFFFFFFE0] =	vst v0  }
0x19: {  	[tilespmem:s29+$0xFFFFFFF0] =	vst v0  }
0x1a: {  	[tilespmem:s29+$0x0] =	vst v0  }
0x1b: {  	[tilespmem:s29+$0xFFFFFFC0] =	vst v0  }
0x1c: {  	[tilespmem:s29+$0x10] =	vst v0  }
0x1d: {  	[tilespmem:s29+$0x20] =	vst v0  }
0x1e: {  	s28 =	simm.s32 $0x76C0;
	[tilespmem:s29+$0xFFFFFFD0] =	vst v0  }
0x1f: {  	[tilespmem:s28+$0x30] =	vst v0  }
0x20: {  	[tilespmem:s28+$0xFFFFFFC0] =	vst v0  }
0x21: {  	[tilespmem:s28+$0x10] =	vst v0  }
0x22: {  	[tilespmem:s28+$0xFFFFFFD0] =	vst v0  }
0x23: {  	[tilespmem:s28+$0x20] =	vst v0  }
0x24: {  	[tilespmem:s28+$0x0] =	vst v0  }
0x25: {  	s26 =	simm.s32 $0x9E40;
	[tilespmem:s28+$0xFFFFFFF0] =	vst v0  }
0x26: {  	[tilespmem:s26+$0x30] =	vst v0  }
0x27: {  	[tilespmem:s26+$0xFFFFFFC0] =	vst v0  }
0x28: {  	[tilespmem:s26+$0x10] =	vst v0  }
0x29: {  	[tilespmem:s26+$0xFFFFFFD0] =	vst v0  }
0x2a: {  	[tilespmem:s26+$0x20] =	vst v0  }
0x2b: {  	[tilespmem:s26+$0x0] =	vst v0  }
0x2c: {  	s30 =	simm.s32 $0xC5C0;
	[tilespmem:s26+$0xFFFFFFF0] =	vst v0  }
0x2d: {  	[tilespmem:s30+$0x30] =	vst v0  }
0x2e: {  	[tilespmem:s30+$0xFFFFFFC0] =	vst v0  }
0x2f: {  	[tilespmem:s30+$0x10] =	vst v0  }
0x30: {  	[tilespmem:s30+$0xFFFFFFD0] =	vst v0  }
0x31: {  	s31 =	simm.s32 $0x0;
	s1 =	simm.s32 $0x9EC0;
	s0 =	simm.s32 $0xC640;
	[tilespmem:s30+$0x20] =	vst v0  }
.LBB2_2:
0x32: {  	s31 =	sadd.s32 $0x8, s31;
	[tilespmem:s28+$0xFFFFFFE0] =	vst v0;
	s29 =	sadd.s32 $0x80, s29;
	s28 =	sadd.s32 $0x80, s28  }
0x33: {  	[tilespmem:s29+$0x30] =	vst v0;
	p0 =	slt.u32 s31, $0x268  }
0x34: {  	[tilespmem:s28+$0x30] =	vst v0  }
0x35: {  	[tilespmem:s1+$0x30] =	vst v0  }
0x36: {  	[tilespmem:s30+$0xFFFFFFF0] =	vst v0  }
0x37: {  	[tilespmem:s30+$0x0] =	vst v0  }
0x38: {  	[tilespmem:s26+$0xFFFFFFE0] =	vst v0;
	s26 =	smov.u32 s1  }
0x39: {  	[tilespmem:s30+$0xFFFFFFE0] =	vst v0;
	s30 =	smov.u32 s0  }
0x3a: {  	[tilespmem:s0+$0x30] =	vst v0  }
0x3b: {  	[tilespmem:s29+$0xFFFFFFE0] =	vst v0  }
0x3c: {  	[tilespmem:s29+$0xFFFFFFF0] =	vst v0  }
0x3d: {  	[tilespmem:s29+$0x0] =	vst v0  }
0x3e: {  	[tilespmem:s29+$0xFFFFFFC0] =	vst v0  }
0x3f: {  	[tilespmem:s28+$0xFFFFFFC0] =	vst v0  }
0x40: {  	[tilespmem:s1+$0xFFFFFFC0] =	vst v0  }
0x41: {  	[tilespmem:s0+$0xFFFFFFC0] =	vst v0  }
0x42: {  	[tilespmem:s29+$0x10] =	vst v0  }
0x43: {  	[tilespmem:s28+$0x10] =	vst v0  }
0x44: {  	[tilespmem:s1+$0x10] =	vst v0  }
0x45: {  	[tilespmem:s0+$0x10] =	vst v0  }
0x46: {  	[tilespmem:s29+$0x20] =	vst v0  }
0x47: {  	[tilespmem:s29+$0xFFFFFFD0] =	vst v0  }
0x48: {  	[tilespmem:s28+$0xFFFFFFD0] =	vst v0  }
0x49: {  	[tilespmem:s1+$0xFFFFFFD0] =	vst v0  }
0x4a: {  	[tilespmem:s0+$0xFFFFFFD0] =	vst v0  }
0x4b: {  	[tilespmem:s28+$0x20] =	vst v0  }
0x4c: {  	[tilespmem:s1+$0x20] =	vst v0  }
.Ltmp0:
0x4d: {  	[tilespmem:s0+$0x20] =	vst v0;
	(pc) =	sbr.rel @p0 .LBB2_2-.Ltmp0, $4  }
0x4e: {  	[tilespmem:s28+$0x0] =	vst v0  }
0x4f: {  	[tilespmem:s1+$0x0] =	vst v0  }
0x50: {  	[tilespmem:s28+$0xFFFFFFF0] =	vst v0  }
0x51: {  	s0 =	sadd.s32 $0x80, s0;
	s1 =	sadd.s32 $0x80, s1;
	[tilespmem:s26+$0xFFFFFFF0] =	vst v0  }
0x52: {  	[tilespmem:s28+$0xFFFFFFE0] =	vst v0  }
0x53: {  	[tilespmem:s30+$0xFFFFFFF0] =	vst v0  }
0x54: {  	[tilespmem:s30+$0x0] =	vst v0  }
0x55: {  	[tilespmem:s26+$0xFFFFFFE0] =	vst v0  }
0x56: {  	[tilespmem:s30+$0xFFFFFFE0] =	vst v0  }
0x57: {  	[tilespmem:$0x7600] =	vst v0  }
0x58: {  	[tilespmem:$0x9D80] =	vst v0  }
0x59: {  	[tilespmem:$0xC500] =	vst v0  }
0x5a: {  	[tilespmem:$0xEC80] =	vst v0  }
0x5b: {  	_ =	swait.ge [sflag:s15], $0x2710  }
0x5c: {  	[sflag:s15] =	ssyncset.done $0x0  }
0x5d: {  	[sflag:s15] =	ssyncadd.s32 $0xFFFFD8F0  }
0x5e: {  	_ =	swait.ge [sflag:s15], $0x2710  }
0x5f: {  	[sflag:s15] =	ssyncset.done $0x0  }
0x60: {  	s26 =	simm.s32 $0x0;
	[sflag:s15] =	ssyncadd.s32 $0xFFFFD8F0  }
.LBB2_4:
0x61: {  	s28 =	smul.u32 $0x3E80, s26;
	_ =	sdelay $0x1  }
0x62: {  	s0 =	sshrl.u32 s28, $0x3  }
0x63: {  	s0 =	sadd.s32 $0x3E8, s0  }
0x64: {  	s1 =	sadd.s32 s4, s0  }
0x65: {  	[tilespmem:s16], [sflag:$0x2] =	stream.linear.gather [hbm4b:s1+s3], $0x1F40, $0x38;
	[tilespmem:$0x16B00] =	vst v63  }
0x66: {  	s0 =	sadd.s32 s2, s0  }
0x67: {  	[tilespmem:s17], [sflag:$0x2] =	stream.linear.gather [hbm4b:s0+s3], $0x1F40, $0x38;
	[tilespmem:$0x16B00] =	vst v63  }
0x68: {  	_ =	swait.ge [sflag:s18], $0x1F40  }
0x69: {  	[sflag:s18] =	ssyncset.done $0x0  }
0x6a: {  	[sflag:s18] =	ssyncadd.s32 $0xFFFFE0C0  }
0x6b: {  	_ =	swait.ge [sflag:s18], $0x1F40  }
0x6c: {  	[sflag:s18] =	ssyncset.done $0x0  }
0x6d: {  	s1 =	simm.s32 $0xED20;
	[sflag:s18] =	ssyncadd.s32 $0xFFFFE0C0  }
0x6e: {  	v1 =	vld [tilespmem:s1+$0x10]  }
0x6f: {  	v3 =	vld [tilespmem:s1+$0xFFFFFFE0];
	_ =	sdelay $0x3  }
0x70: {  	v2 =	vld [tilespmem:s1+$0xFFFFFFF0];
	v5 =	vand.u32 $0x3FFF, v1  }
0x71: {  	v7 =	vand.u32 $0x3FFF, v3  }
0x72: {  	s29 =	simm.s32 $0x10CE0;
	v4 =	vld [tilespmem:s1+$0x0]  }
0x73: {  	s1 =	simm.s32 $0x10CA0;
	v60 =	vld [tilespmem:s29+$0x10]  }
0x74: {  	v10 =	vld [tilespmem:s1+$0x10]  }
0x75: {  	v6 =	vand.u32 $0x3FFF, v2;
	v9 =	vld.idx.msk [tilespmem:v5+s3+$0x0], $0xffff  }
0x76: {  	v12 =	vld.idx.msk [tilespmem:v7+s3+$0x0], $0xffff  }
0x77: {  	v14 =	vld [tilespmem:s1+$0xFFFFFFE0];
	v8 =	vand.u32 $0x3FFF, v4  }
0x78: {  	v16 =	vld [tilespmem:s1+$0xFFFFFFF0];
	v13 =	vshrl.u32 v1, $0xE  }
0x79: {  	v17 =	vld [tilespmem:s1+$0x0];
	v3 =	vshrl.u32 v3, $0xE  }
0x7a: {  	s1 =	simm.s32 $0xED60;
	v11 =	vld.idx.msk [tilespmem:v6+s3+$0x0], $0xffff;
	v1 =	vshll.u32 v9, $0x10  }
0x7b: {  	v55 =	vld [tilespmem:s1+$0x0];
	v18 =	vshll.u32 v12, $0x10;
	v1 =	vmul.f32 v1, v10  }
0x7c: {  	v15 =	vld.idx.msk [tilespmem:v8+s3+$0x0], $0xffff;
	v9 =	vand.u32 $0xFFFF0000, v9;
	v18 =	vmul.f32 v18, v14  }
0x7d: {  	v2 =	vshrl.u32 v2, $0xE;
	v9 =	vmul.f32 v9, v10;
	[tilespmem:v13+s19+$0x0] =	vst.idx.add.f32.msk $0xffff, v1  }
0x7e: {  	v12 =	vand.u32 $0xFFFF0000, v12;
	[tilespmem:v3+s19+$0x0] =	vst.idx.add.f32.msk $0xffff, v18  }
0x7f: {  	v1 =	vshrl.u32 v4, $0xE;
	v4 =	vshll.u32 v11, $0x10;
	[tilespmem:v13+s20+$0x0] =	vst.idx.add.f32.msk $0xffff, v9;
	v9 =	vmul.f32 v12, v14  }
0x80: {  	v11 =	vand.u32 $0xFFFF0000, v11;
	v4 =	vmul.f32 v4, v16;
	v5 =	vld.idx.msk [tilespmem:v5+s12+$0x0], $0xffff  }
0x81: {  	v54 =	vshll.u32 v15, $0x10;
	v11 =	vmul.f32 v11, v16;
	[tilespmem:v3+s20+$0x0] =	vst.idx.add.f32.msk $0xffff, v9  }
0x82: {  	v12 =	vmul.f32 v54, v17;
	v9 =	vand.u32 $0xFFFF0000, v15;
	[tilespmem:v2+s19+$0x0] =	vst.idx.add.f32.msk $0xffff, v4  }
0x83: {  	v4 =	vmul.f32 v9, v17;
	[tilespmem:v2+s20+$0x0] =	vst.idx.add.f32.msk $0xffff, v11  }
0x84: {  	[tilespmem:v1+s19+$0x0] =	vst.idx.add.f32.msk $0xffff, v12  }
0x85: {  	[tilespmem:v1+s20+$0x0] =	vst.idx.add.f32.msk $0xffff, v4;
	v4 =	vshll.u32 v5, $0x10  }
0x86: {  	v6 =	vld.idx.msk [tilespmem:v6+s12+$0x0], $0xffff;
	v4 =	vmul.f32 v4, v10  }
0x87: {  	v11 =	vld [tilespmem:s1+$0xFFFFFFE0]  }
0x88: {  	v5 =	vand.u32 $0xFFFF0000, v5;
	[tilespmem:v13+s21+$0x0] =	vst.idx.add.f32.msk $0xffff, v4  }
0x89: {  	v4 =	vmul.f32 v5, v10;
	v5 =	vld [tilespmem:s1+$0x10]  }
0x8a: {  	v7 =	vld.idx.msk [tilespmem:v7+s12+$0x0], $0xffff  }
0x8b: {  	v8 =	vld.idx.msk [tilespmem:v8+s12+$0x0], $0xffff;
	v9 =	vshll.u32 v6, $0x10  }
0x8c: {  	v58 =	vand.u32 $0x3FFF, v11;
	v10 =	vld [tilespmem:s1+$0xFFFFFFF0];
	v9 =	vmul.f32 v9, v16  }
0x8d: {  	v6 =	vand.u32 $0xFFFF0000, v6;
	[tilespmem:v13+s22+$0x0] =	vst.idx.add.f32.msk $0xffff, v4  }
0x8e: {  	v6 =	vmul.f32 v6, v16;
	[tilespmem:v2+s21+$0x0] =	vst.idx.add.f32.msk $0xffff, v9;
	v56 =	vand.u32 $0x3FFF, v5  }
0x8f: {  	v4 =	vshll.u32 v7, $0x10;
	v9 =	vld [tilespmem:s29+$0xFFFFFFE0]  }
0x90: {  	v4 =	vmul.f32 v4, v14;
	[tilespmem:v2+s22+$0x0] =	vst.idx.add.f32.msk $0xffff, v6  }
0x91: {  	v7 =	vand.u32 $0xFFFF0000, v7;
	v19 =	vld.idx.msk [tilespmem:v58+s3+$0x0], $0xffff;
	v57 =	vand.u32 $0x3FFF, v10  }
0x92: {  	v7 =	vmul.f32 v7, v14;
	[tilespmem:v3+s21+$0x0] =	vst.idx.add.f32.msk $0xffff, v4  }
0x93: {  	v2 =	vld.idx.msk [tilespmem:v56+s3+$0x0], $0xffff  }
0x94: {  	v4 =	vand.u32 $0x3FFF, v55;
	[tilespmem:v3+s22+$0x0] =	vst.idx.add.f32.msk $0xffff, v7;
	v3 =	vshll.u32 v8, $0x10  }
0x95: {  	v21 =	vshrl.u32 v5, $0xE;
	v5 =	vshrl.u32 v11, $0xE;
	v7 =	vld [tilespmem:s29+$0xFFFFFFF0];
	v3 =	vmul.f32 v3, v17  }
0x96: {  	v59 =	vld.idx.msk [tilespmem:v57+s3+$0x0], $0xffff  }
0x97: {  	[tilespmem:v1+s21+$0x0] =	vst.idx.add.f32.msk $0xffff, v3;
	v3 =	vshrl.u32 v10, $0xE;
	v10 =	vshll.u32 v19, $0x10  }
0x98: {  	v6 =	vld [tilespmem:s29+$0x0];
	v10 =	vmul.f32 v10, v9;
	v22 =	vshll.u32 v2, $0x10  }
0x99: {  	v20 =	vld.idx.msk [tilespmem:v4+s3+$0x0], $0xffff;
	v2 =	vand.u32 $0xFFFF0000, v2;
	v11 =	vmul.f32 v22, v60  }
0x9a: {  	[tilespmem:v5+s19+$0x0] =	vst.idx.add.f32.msk $0xffff, v10;
	v2 =	vmul.f32 v2, v60  }
0x9b: {  	v61 =	vshll.u32 v59, $0x10;
	[tilespmem:v21+s19+$0x0] =	vst.idx.add.f32.msk $0xffff, v11  }
0x9c: {  	v12 =	vmul.f32 v61, v7;
	v11 =	vand.u32 $0xFFFF0000, v19;
	[tilespmem:v21+s20+$0x0] =	vst.idx.add.f32.msk $0xffff, v2;
	v2 =	vshrl.u32 v55, $0xE  }
0x9d: {  	v16 =	vand.u32 $0xFFFF0000, v59;
	v11 =	vmul.f32 v11, v9;
	v13 =	vld.idx.msk [tilespmem:v56+s12+$0x0], $0xffff  }
0x9e: {  	v10 =	vshll.u32 v20, $0x10;
	v16 =	vmul.f32 v16, v7;
	[tilespmem:v3+s19+$0x0] =	vst.idx.add.f32.msk $0xffff, v12  }
0x9f: {  	v10 =	vmul.f32 v10, v6;
	[tilespmem:v5+s20+$0x0] =	vst.idx.add.f32.msk $0xffff, v11;
	v11 =	vand.u32 $0xFFFF0000, v20  }
0xa0: {  	[tilespmem:v3+s20+$0x0] =	vst.idx.add.f32.msk $0xffff, v16;
	v11 =	vmul.f32 v11, v6  }
0xa1: {  	[tilespmem:v2+s19+$0x0] =	vst.idx.add.f32.msk $0xffff, v10  }
0xa2: {  	[tilespmem:v2+s20+$0x0] =	vst.idx.add.f32.msk $0xffff, v11;
	v10 =	vshll.u32 v13, $0x10  }
0xa3: {  	v11 =	vld.idx.msk [tilespmem:v58+s12+$0x0], $0xffff;
	v62 =	vand.u32 $0xFFFF0000, v13;
	v63 =	vmul.f32 v10, v60  }
0xa4: {  	v10 =	vld.idx.msk [tilespmem:v57+s12+$0x0], $0xffff;
	v12 =	vmul.f32 v62, v60  }
0xa5: {  	v8 =	vand.u32 $0xFFFF0000, v8;
	[tilespmem:v21+s21+$0x0] =	vst.idx.add.f32.msk $0xffff, v63  }
0xa6: {  	s30 =	simm.s32 $0x4;
	s31 =	simm.s32 $0xEDA0;
	v8 =	vmul.f32 v8, v17;
	[tilespmem:v21+s22+$0x0] =	vst.idx.add.f32.msk $0xffff, v12  }
.LBB2_5:
0xa7: {  	v12 =	vld [tilespmem:s31+$0x10]  }
0xa8: {  	v13 =	vld [tilespmem:s31+$0xFFFFFFF0]  }
0xa9: {  	s30 =	sadd.s32 $0x4, s30;
	v15 =	vshll.u32 v11, $0x10;
	v11 =	vand.u32 $0xFFFF0000, v11;
	v14 =	vld [tilespmem:s31+$0x0]  }
0xaa: {  	p0 =	slt.u32 s30, $0x1F0;
	v15 =	vmul.f32 v15, v9;
	v17 =	vshll.u32 v10, $0x10;
	v10 =	vand.u32 $0xFFFF0000, v10;
	v16 =	vld [tilespmem:s31+$0xFFFFFFE0]  }
0xab: {  	v9 =	vmul.f32 v11, v9;
	v11 =	vmul.f32 v17, v7;
	v17 =	vld.idx.msk [tilespmem:v4+s12+$0x0], $0xffff  }
0xac: {  	v7 =	vmul.f32 v10, v7;
	v18 =	vand.u32 $0x3FFF, v12;
	[tilespmem:v5+s21+$0x0] =	vst.idx.add.f32.msk $0xffff, v15  }
0xad: {  	v10 =	vshrl.u32 v13, $0xE;
	v13 =	vand.u32 $0x3FFF, v13;
	[tilespmem:v5+s22+$0x0] =	vst.idx.add.f32.msk $0xffff, v9  }
0xae: {  	v9 =	vshrl.u32 v14, $0xE;
	v4 =	vand.u32 $0x3FFF, v14;
	[tilespmem:v3+s21+$0x0] =	vst.idx.add.f32.msk $0xffff, v11  }
0xaf: {  	v5 =	vshrl.u32 v16, $0xE;
	v11 =	vand.u32 $0x3FFF, v16;
	[tilespmem:v3+s22+$0x0] =	vst.idx.add.f32.msk $0xffff, v7;
	v3 =	vmov v10  }
0xb0: {  	[tilespmem:v1+s22+$0x0] =	vst.idx.add.f32.msk $0xffff, v8;
	v1 =	vmov v2;
	v2 =	vmov v9  }
0xb1: {  	v7 =	vshll.u32 v17, $0x10;
	v8 =	vand.u32 $0xFFFF0000, v17;
	v10 =	vld.idx.msk [tilespmem:v18+s3+$0x0], $0xffff  }
0xb2: {  	s29 =	sadd.s32 $0x40, s29;
	v15 =	vmul.f32 v7, v6;
	v8 =	vmul.f32 v8, v6;
	v14 =	vld.idx.msk [tilespmem:v13+s3+$0x0], $0xffff  }
0xb3: {  	v16 =	vld [tilespmem:s29+$0x10]  }
0xb4: {  	v17 =	vld.idx.msk [tilespmem:v11+s3+$0x0], $0xffff  }
0xb5: {  	v12 =	vshrl.u32 v12, $0xE;
	v19 =	vld.idx.msk [tilespmem:v4+s3+$0x0], $0xffff  }
0xb6: {  	v9 =	vld [tilespmem:s29+$0xFFFFFFE0]  }
0xb7: {  	v20 =	vshll.u32 v10, $0x10;
	v7 =	vld [tilespmem:s29+$0xFFFFFFF0]  }
0xb8: {  	v10 =	vand.u32 $0xFFFF0000, v10;
	v21 =	vshll.u32 v14, $0x10;
	v6 =	vld [tilespmem:s29+$0x0];
	v20 =	vmul.f32 v20, v16  }
0xb9: {  	v14 =	vand.u32 $0xFFFF0000, v14;
	v10 =	vmul.f32 v10, v16;
	[tilespmem:v1+s21+$0x0] =	vst.idx.add.f32.msk $0xffff, v15  }
0xba: {  	v15 =	vshll.u32 v17, $0x10;
	v17 =	vand.u32 $0xFFFF0000, v17;
	[tilespmem:v12+s19+$0x0] =	vst.idx.add.f32.msk $0xffff, v20  }
0xbb: {  	v20 =	vshll.u32 v19, $0x10;
	v19 =	vand.u32 $0xFFFF0000, v19;
	v15 =	vmul.f32 v15, v9;
	[tilespmem:v12+s20+$0x0] =	vst.idx.add.f32.msk $0xffff, v10  }
0xbc: {  	v10 =	vmul.f32 v17, v9;
	v17 =	vmul.f32 v21, v7;
	v18 =	vld.idx.msk [tilespmem:v18+s12+$0x0], $0xffff  }
0xbd: {  	v14 =	vmul.f32 v14, v7;
	[tilespmem:v5+s19+$0x0] =	vst.idx.add.f32.msk $0xffff, v15;
	v15 =	vmul.f32 v20, v6  }
0xbe: {  	[tilespmem:v5+s20+$0x0] =	vst.idx.add.f32.msk $0xffff, v10;
	v10 =	vmul.f32 v19, v6  }
0xbf: {  	[tilespmem:v3+s19+$0x0] =	vst.idx.add.f32.msk $0xffff, v17  }
0xc0: {  	[tilespmem:v3+s20+$0x0] =	vst.idx.add.f32.msk $0xffff, v14  }
0xc1: {  	[tilespmem:v2+s19+$0x0] =	vst.idx.add.f32.msk $0xffff, v15  }
.Ltmp1:
0xc2: {  	[tilespmem:v2+s20+$0x0] =	vst.idx.add.f32.msk $0xffff, v10;
	v10 =	vshll.u32 v18, $0x10;
	(pc) =	sbr.rel @p0 .LBB2_5-.Ltmp1, $4  }
0xc3: {  	v14 =	vand.u32 $0xFFFF0000, v18;
	v11 =	vld.idx.msk [tilespmem:v11+s12+$0x0], $0xffff;
	v15 =	vmul.f32 v10, v16  }
0xc4: {  	v10 =	vld.idx.msk [tilespmem:v13+s12+$0x0], $0xffff;
	v13 =	vmul.f32 v14, v16  }
0xc5: {  	[tilespmem:v12+s21+$0x0] =	vst.idx.add.f32.msk $0xffff, v15  }
0xc6: {  	s31 =	sadd.s32 $0x40, s31;
	[tilespmem:v12+s22+$0x0] =	vst.idx.add.f32.msk $0xffff, v13  }
0xc7: {  	_ =	sdelay $0x3  }
0xc8: {  	v4 =	vld.idx.msk [tilespmem:v4+s12+$0x0], $0xffff;
	v12 =	vshll.u32 v11, $0x10  }
0xc9: {  	v11 =	vand.u32 $0xFFFF0000, v11;
	v12 =	vmul.f32 v12, v9  }
0xca: {  	v13 =	vshll.u32 v10, $0x10;
	v9 =	vmul.f32 v11, v9  }
0xcb: {  	v10 =	vand.u32 $0xFFFF0000, v10;
	v11 =	vmul.f32 v13, v7;
	[tilespmem:v5+s21+$0x0] =	vst.idx.add.f32.msk $0xffff, v12  }
0xcc: {  	v7 =	vmul.f32 v10, v7;
	[tilespmem:v5+s22+$0x0] =	vst.idx.add.f32.msk $0xffff, v9  }
0xcd: {  	[tilespmem:v3+s21+$0x0] =	vst.idx.add.f32.msk $0xffff, v11;
	v5 =	vshll.u32 v4, $0x10  }
0xce: {  	p0 =	seq.s32 s26, $0x13;
	[tilespmem:v3+s22+$0x0] =	vst.idx.add.f32.msk $0xffff, v7;
	v3 =	vand.u32 $0xFFFF0000, v4;
	v4 =	vmul.f32 v5, v6  }
0xcf: {  	[tilespmem:v1+s22+$0x0] =	vst.idx.add.f32.msk $0xffff, v8;
	s0 =	sshrl.u32 @!p0 s28, $0x3;
	v1 =	vmul.f32 v3, v6  }
0xd0: {  	s0 =	sadd.s32 @!p0 $0x7D0, s0;
	[tilespmem:v2+s21+$0x0] =	vst.idx.add.f32.msk $0xffff, v4  }
0xd1: {  	s28 =	simm.s32 @!p0 $0x0;
	s29 =	simm.s32 @!p0 $0xED00;
	s1 =	sadd.s32 @!p0 s4, s0;
	[tilespmem:v2+s22+$0x0] =	vst.idx.add.f32.msk $0xffff, v1  }
0xd2: {  	[tilespmem:s29], [sflag:$0x1] =	stream.linear.gather @!p0 [hbm4b:s1+s28], $0x1F40, $0x38;
	[tilespmem:$0x16B00] =	vst v63  }
0xd3: {  	s0 =	sadd.s32 @!p0 s2, s0;
	s1 =	simm.s32 @!p0 $0x10C80  }
0xd4: {  	[tilespmem:s1], [sflag:$0x1] =	stream.linear.gather @!p0 [hbm4b:s0+s28], $0x1F40, $0x38;
	[tilespmem:$0x16B00] =	vst v63  }
0xd5: {  	_ =	swait.ge [sflag:s23], $0x1F40  }
0xd6: {  	[sflag:s23] =	ssyncset.done $0x0  }
0xd7: {  	[sflag:s23] =	ssyncadd.s32 $0xFFFFE0C0  }
0xd8: {  	_ =	swait.ge [sflag:s23], $0x1F40  }
0xd9: {  	[sflag:s23] =	ssyncset.done $0x0  }
0xda: {  	s31 =	simm.s32 $0x12C20;
	[sflag:s23] =	ssyncadd.s32 $0xFFFFE0C0  }
0xdb: {  	v1 =	vld [tilespmem:s31+$0x10]  }
0xdc: {  	v3 =	vld [tilespmem:s31+$0xFFFFFFE0];
	_ =	sdelay $0x3  }
0xdd: {  	v2 =	vld [tilespmem:s31+$0xFFFFFFF0];
	v5 =	vand.u32 $0x3FFF, v1  }
0xde: {  	v7 =	vand.u32 $0x3FFF, v3  }
0xdf: {  	v4 =	vld [tilespmem:s31+$0x0]  }
0xe0: {  	s1 =	simm.s32 $0x14BA0  }
0xe1: {  	v10 =	vld [tilespmem:s1+$0x10]  }
0xe2: {  	v6 =	vand.u32 $0x3FFF, v2;
	v9 =	vld.idx.msk [tilespmem:v5+s3+$0x0], $0xffff  }
0xe3: {  	v53 =	vld.idx.msk [tilespmem:v7+s3+$0x0], $0xffff  }
0xe4: {  	v14 =	vld [tilespmem:s1+$0xFFFFFFE0];
	v8 =	vand.u32 $0x3FFF, v4  }
0xe5: {  	v16 =	vld [tilespmem:s1+$0xFFFFFFF0];
	v54 =	vshrl.u32 v1, $0xE  }
0xe6: {  	v17 =	vld [tilespmem:s1+$0x0];
	v3 =	vshrl.u32 v3, $0xE  }
0xe7: {  	s28 =	simm.s32 $0x14BE0;
	v11 =	vld.idx.msk [tilespmem:v6+s3+$0x0], $0xffff;
	v1 =	vshll.u32 v9, $0x10  }
0xe8: {  	v62 =	vld [tilespmem:s28+$0x10];
	v18 =	vshll.u32 v53, $0x10;
	v1 =	vmul.f32 v1, v10  }
0xe9: {  	v15 =	vld.idx.msk [tilespmem:v8+s3+$0x0], $0xffff;
	v9 =	vand.u32 $0xFFFF0000, v9;
	v18 =	vmul.f32 v18, v14  }
0xea: {  	v2 =	vshrl.u32 v2, $0xE;
	v9 =	vmul.f32 v9, v10;
	[tilespmem:v54+s19+$0x0] =	vst.idx.add.f32.msk $0xffff, v1  }
0xeb: {  	v12 =	vand.u32 $0xFFFF0000, v53;
	[tilespmem:v3+s19+$0x0] =	vst.idx.add.f32.msk $0xffff, v18  }
0xec: {  	v1 =	vshrl.u32 v4, $0xE;
	v4 =	vshll.u32 v11, $0x10;
	[tilespmem:v54+s20+$0x0] =	vst.idx.add.f32.msk $0xffff, v9;
	v9 =	vmul.f32 v12, v14  }
0xed: {  	v11 =	vand.u32 $0xFFFF0000, v11;
	v4 =	vmul.f32 v4, v16;
	v5 =	vld.idx.msk [tilespmem:v5+s12+$0x0], $0xffff  }
0xee: {  	v55 =	vshll.u32 v15, $0x10;
	v11 =	vmul.f32 v11, v16;
	[tilespmem:v3+s20+$0x0] =	vst.idx.add.f32.msk $0xffff, v9  }
0xef: {  	v12 =	vmul.f32 v55, v17;
	v9 =	vand.u32 $0xFFFF0000, v15;
	[tilespmem:v2+s19+$0x0] =	vst.idx.add.f32.msk $0xffff, v4  }
0xf0: {  	v4 =	vmul.f32 v9, v17;
	[tilespmem:v2+s20+$0x0] =	vst.idx.add.f32.msk $0xffff, v11  }
0xf1: {  	[tilespmem:v1+s19+$0x0] =	vst.idx.add.f32.msk $0xffff, v12  }
0xf2: {  	s31 =	simm.s32 $0x12C60;
	[tilespmem:v1+s20+$0x0] =	vst.idx.add.f32.msk $0xffff, v4;
	v4 =	vshll.u32 v5, $0x10  }
0xf3: {  	v9 =	vld [tilespmem:s31+$0xFFFFFFF0];
	v4 =	vmul.f32 v4, v10  }
0xf4: {  	v6 =	vld.idx.msk [tilespmem:v6+s12+$0x0], $0xffff  }
0xf5: {  	v5 =	vand.u32 $0xFFFF0000, v5;
	[tilespmem:v54+s21+$0x0] =	vst.idx.add.f32.msk $0xffff, v4  }
0xf6: {  	v4 =	vmul.f32 v5, v10;
	v5 =	vld [tilespmem:s31+$0x10]  }
0xf7: {  	v10 =	vld [tilespmem:s31+$0xFFFFFFE0]  }
0xf8: {  	v7 =	vld.idx.msk [tilespmem:v7+s12+$0x0], $0xffff  }
0xf9: {  	v11 =	vld [tilespmem:s31+$0x0];
	v56 =	vshll.u32 v6, $0x10  }
0xfa: {  	v57 =	vld.idx.msk [tilespmem:v8+s12+$0x0], $0xffff;
	v59 =	vand.u32 $0x3FFF, v9;
	v8 =	vmul.f32 v56, v16  }
0xfb: {  	v6 =	vand.u32 $0xFFFF0000, v6;
	[tilespmem:v54+s22+$0x0] =	vst.idx.add.f32.msk $0xffff, v4;
	v58 =	vand.u32 $0x3FFF, v5  }
0xfc: {  	v6 =	vmul.f32 v6, v16;
	[tilespmem:v2+s21+$0x0] =	vst.idx.add.f32.msk $0xffff, v8;
	v60 =	vand.u32 $0x3FFF, v10  }
0xfd: {  	v8 =	vld [tilespmem:s28+$0xFFFFFFE0]  }
0xfe: {  	[tilespmem:v2+s22+$0x0] =	vst.idx.add.f32.msk $0xffff, v6  }
0xff: {  	v4 =	vshll.u32 v7, $0x10;
	v61 =	vld.idx.msk [tilespmem:v59+s3+$0x0], $0xffff  }
0x100: {  	v7 =	vand.u32 $0xFFFF0000, v7;
	v4 =	vmul.f32 v4, v14;
	v2 =	vld.idx.msk [tilespmem:v58+s3+$0x0], $0xffff  }
0x101: {  	v7 =	vmul.f32 v7, v14;
	v19 =	vld.idx.msk [tilespmem:v60+s3+$0x0], $0xffff  }
0x102: {  	[tilespmem:v3+s21+$0x0] =	vst.idx.add.f32.msk $0xffff, v4;
	v4 =	vand.u32 $0x3FFF, v11  }
0x103: {  	v21 =	vshrl.u32 v5, $0xE;
	[tilespmem:v3+s22+$0x0] =	vst.idx.add.f32.msk $0xffff, v7;
	v3 =	vshll.u32 v57, $0x10  }
0x104: {  	v6 =	vld [tilespmem:s28+$0x0];
	v5 =	vshrl.u32 v10, $0xE;
	v3 =	vmul.f32 v3, v17  }
0x105: {  	v7 =	vld [tilespmem:s28+$0xFFFFFFF0];
	v22 =	vshll.u32 v2, $0x10  }
0x106: {  	[tilespmem:v1+s21+$0x0] =	vst.idx.add.f32.msk $0xffff, v3;
	v3 =	vshrl.u32 v9, $0xE;
	v9 =	vshll.u32 v19, $0x10;
	v10 =	vmul.f32 v22, v62  }
0x107: {  	v20 =	vld.idx.msk [tilespmem:v4+s3+$0x0], $0xffff;
	v2 =	vand.u32 $0xFFFF0000, v2;
	v9 =	vmul.f32 v9, v8  }
0x108: {  	v2 =	vmul.f32 v2, v62;
	[tilespmem:v21+s19+$0x0] =	vst.idx.add.f32.msk $0xffff, v10  }
0x109: {  	v10 =	vand.u32 $0xFFFF0000, v19;
	[tilespmem:v5+s19+$0x0] =	vst.idx.add.f32.msk $0xffff, v9  }
0x10a: {  	[tilespmem:v21+s20+$0x0] =	vst.idx.add.f32.msk $0xffff, v2;
	v2 =	vshrl.u32 v11, $0xE;
	v11 =	vshll.u32 v61, $0x10;
	v10 =	vmul.f32 v10, v8  }
0x10b: {  	v14 =	vld.idx.msk [tilespmem:v58+s12+$0x0], $0xffff;
	v11 =	vmul.f32 v11, v7  }
0x10c: {  	v16 =	vand.u32 $0xFFFF0000, v61;
	[tilespmem:v5+s20+$0x0] =	vst.idx.add.f32.msk $0xffff, v10  }
0x10d: {  	v16 =	vmul.f32 v16, v7;
	v9 =	vshll.u32 v20, $0x10;
	[tilespmem:v3+s19+$0x0] =	vst.idx.add.f32.msk $0xffff, v11  }
0x10e: {  	v9 =	vmul.f32 v9, v6;
	v10 =	vand.u32 $0xFFFF0000, v20;
	v11 =	vld.idx.msk [tilespmem:v60+s12+$0x0], $0xffff  }
0x10f: {  	v10 =	vmul.f32 v10, v6;
	[tilespmem:v3+s20+$0x0] =	vst.idx.add.f32.msk $0xffff, v16  }
0x110: {  	[tilespmem:v2+s19+$0x0] =	vst.idx.add.f32.msk $0xffff, v9;
	v9 =	vshll.u32 v14, $0x10  }
0x111: {  	[tilespmem:v2+s20+$0x0] =	vst.idx.add.f32.msk $0xffff, v10;
	v14 =	vand.u32 $0xFFFF0000, v14;
	v9 =	vmul.f32 v9, v62  }
0x112: {  	v10 =	vld.idx.msk [tilespmem:v59+s12+$0x0], $0xffff;
	v63 =	vmul.f32 v14, v62  }
0x113: {  	v13 =	vand.u32 $0xFFFF0000, v57;
	[tilespmem:v21+s21+$0x0] =	vst.idx.add.f32.msk $0xffff, v9  }
0x114: {  	s30 =	simm.s32 $0x12CA0;
	s29 =	simm.s32 $0x4;
	v9 =	vmul.f32 v13, v17;
	[tilespmem:v21+s22+$0x0] =	vst.idx.add.f32.msk $0xffff, v63  }
.LBB2_7:
0x115: {  	v12 =	vld [tilespmem:s30+$0x10]  }
0x116: {  	v13 =	vld [tilespmem:s30+$0xFFFFFFF0]  }
0x117: {  	s29 =	sadd.s32 $0x4, s29;
	v15 =	vshll.u32 v11, $0x10;
	v11 =	vand.u32 $0xFFFF0000, v11;
	v14 =	vld [tilespmem:s30+$0x0]  }
0x118: {  	p0 =	slt.u32 s29, $0x1F0;
	v15 =	vmul.f32 v15, v8;
	v17 =	vshll.u32 v10, $0x10;
	v10 =	vand.u32 $0xFFFF0000, v10;
	v16 =	vld [tilespmem:s30+$0xFFFFFFE0]  }
0x119: {  	v8 =	vmul.f32 v11, v8;
	v11 =	vmul.f32 v17, v7;
	v17 =	vld.idx.msk [tilespmem:v4+s12+$0x0], $0xffff  }
0x11a: {  	v7 =	vmul.f32 v10, v7;
	v18 =	vand.u32 $0x3FFF, v12;
	[tilespmem:v5+s21+$0x0] =	vst.idx.add.f32.msk $0xffff, v15  }
0x11b: {  	v10 =	vshrl.u32 v13, $0xE;
	v13 =	vand.u32 $0x3FFF, v13;
	[tilespmem:v5+s22+$0x0] =	vst.idx.add.f32.msk $0xffff, v8  }
0x11c: {  	v8 =	vshrl.u32 v14, $0xE;
	v4 =	vand.u32 $0x3FFF, v14;
	[tilespmem:v3+s21+$0x0] =	vst.idx.add.f32.msk $0xffff, v11  }
0x11d: {  	v5 =	vshrl.u32 v16, $0xE;
	v11 =	vand.u32 $0x3FFF, v16;
	[tilespmem:v3+s22+$0x0] =	vst.idx.add.f32.msk $0xffff, v7;
	v3 =	vmov v10  }
0x11e: {  	[tilespmem:v1+s22+$0x0] =	vst.idx.add.f32.msk $0xffff, v9;
	v1 =	vmov v2;
	v2 =	vmov v8  }
0x11f: {  	v7 =	vshll.u32 v17, $0x10;
	v8 =	vand.u32 $0xFFFF0000, v17;
	v10 =	vld.idx.msk [tilespmem:v18+s3+$0x0], $0xffff  }
0x120: {  	s28 =	sadd.s32 $0x40, s28;
	v15 =	vmul.f32 v7, v6;
	v9 =	vmul.f32 v8, v6;
	v14 =	vld.idx.msk [tilespmem:v13+s3+$0x0], $0xffff  }
0x121: {  	v16 =	vld [tilespmem:s28+$0x10]  }
0x122: {  	v17 =	vld.idx.msk [tilespmem:v11+s3+$0x0], $0xffff  }
0x123: {  	v12 =	vshrl.u32 v12, $0xE;
	v19 =	vld.idx.msk [tilespmem:v4+s3+$0x0], $0xffff  }
0x124: {  	v8 =	vld [tilespmem:s28+$0xFFFFFFE0]  }
0x125: {  	v20 =	vshll.u32 v10, $0x10;
	v7 =	vld [tilespmem:s28+$0xFFFFFFF0]  }
0x126: {  	v10 =	vand.u32 $0xFFFF0000, v10;
	v21 =	vshll.u32 v14, $0x10;
	v6 =	vld [tilespmem:s28+$0x0];
	v20 =	vmul.f32 v20, v16  }
0x127: {  	v14 =	vand.u32 $0xFFFF0000, v14;
	v10 =	vmul.f32 v10, v16;
	[tilespmem:v1+s21+$0x0] =	vst.idx.add.f32.msk $0xffff, v15  }
0x128: {  	v15 =	vshll.u32 v17, $0x10;
	v17 =	vand.u32 $0xFFFF0000, v17;
	[tilespmem:v12+s19+$0x0] =	vst.idx.add.f32.msk $0xffff, v20  }
0x129: {  	v20 =	vshll.u32 v19, $0x10;
	v19 =	vand.u32 $0xFFFF0000, v19;
	v15 =	vmul.f32 v15, v8;
	[tilespmem:v12+s20+$0x0] =	vst.idx.add.f32.msk $0xffff, v10  }
0x12a: {  	v10 =	vmul.f32 v17, v8;
	v17 =	vmul.f32 v21, v7;
	v18 =	vld.idx.msk [tilespmem:v18+s12+$0x0], $0xffff  }
0x12b: {  	v14 =	vmul.f32 v14, v7;
	[tilespmem:v5+s19+$0x0] =	vst.idx.add.f32.msk $0xffff, v15;
	v15 =	vmul.f32 v20, v6  }
0x12c: {  	[tilespmem:v5+s20+$0x0] =	vst.idx.add.f32.msk $0xffff, v10;
	v10 =	vmul.f32 v19, v6  }
0x12d: {  	[tilespmem:v3+s19+$0x0] =	vst.idx.add.f32.msk $0xffff, v17  }
0x12e: {  	[tilespmem:v3+s20+$0x0] =	vst.idx.add.f32.msk $0xffff, v14  }
0x12f: {  	[tilespmem:v2+s19+$0x0] =	vst.idx.add.f32.msk $0xffff, v15  }
.Ltmp2:
0x130: {  	[tilespmem:v2+s20+$0x0] =	vst.idx.add.f32.msk $0xffff, v10;
	v10 =	vshll.u32 v18, $0x10;
	(pc) =	sbr.rel @p0 .LBB2_7-.Ltmp2, $4  }
0x131: {  	v14 =	vand.u32 $0xFFFF0000, v18;
	v11 =	vld.idx.msk [tilespmem:v11+s12+$0x0], $0xffff;
	v15 =	vmul.f32 v10, v16  }
0x132: {  	v10 =	vld.idx.msk [tilespmem:v13+s12+$0x0], $0xffff;
	v13 =	vmul.f32 v14, v16  }
0x133: {  	[tilespmem:v12+s21+$0x0] =	vst.idx.add.f32.msk $0xffff, v15  }
0x134: {  	s30 =	sadd.s32 $0x40, s30;
	[tilespmem:v12+s22+$0x0] =	vst.idx.add.f32.msk $0xffff, v13  }
0x135: {  	_ =	sdelay $0x3  }
0x136: {  	v4 =	vld.idx.msk [tilespmem:v4+s12+$0x0], $0xffff  }
0x137: {  	v12 =	vshll.u32 v11, $0x10  }
0x138: {  	v12 =	vmul.f32 v12, v8;
	v13 =	vshll.u32 v10, $0x10  }
0x139: {  	[tilespmem:v1+s22+$0x0] =	vst.idx.add.f32.msk $0xffff, v9;
	s26 =	sadd.s32 $0x1, s26;
	v59 =	vand.u32 $0xFFFF0000, v10;
	v60 =	vmul.f32 v13, v7  }
0x13a: {  	v57 =	vand.u32 $0xFFFF0000, v11;
	p0 =	sne.s32 s26, $0x14;
	v61 =	vmul.f32 v59, v7;
	[tilespmem:v5+s21+$0x0] =	vst.idx.add.f32.msk $0xffff, v12  }
.Ltmp3:
0x13b: {  	v58 =	vmul.f32 v57, v8;
	[tilespmem:v3+s21+$0x0] =	vst.idx.add.f32.msk $0xffff, v60;
	v62 =	vshll.u32 v4, $0x10;
	(pc) =	sbr.rel @p0 .LBB2_4-.Ltmp3, $4  }
0x13c: {  	[tilespmem:v3+s22+$0x0] =	vst.idx.add.f32.msk $0xffff, v61;
	v3 =	vand.u32 $0xFFFF0000, v4;
	v63 =	vmul.f32 v62, v6  }
0x13d: {  	[tilespmem:v5+s22+$0x0] =	vst.idx.add.f32.msk $0xffff, v58;
	v1 =	vmul.f32 v3, v6  }
0x13e: {  	[tilespmem:v2+s21+$0x0] =	vst.idx.add.f32.msk $0xffff, v63  }
0x13f: {  	[tilespmem:v2+s22+$0x0] =	vst.idx.add.f32.msk $0xffff, v1  }
0x140: {  	[hbm4b:s7+s3] =	stream.linear.scatter [tilespmem:s19], [sflag:$0x4], $0x2710, $0x38;
	[tilespmem:$0x16B00] =	vst v63  }
0x141: {  	_ =	swait.ge [sflag:s24], $0x2710  }
0x142: {  	[sflag:s24] =	ssyncset.done $0x0  }
0x143: {  	[sflag:s24] =	ssyncadd.s32 $0xFFFFD8F0  }
0x144: {  	[hbm4b:s8+s3] =	stream.linear.scatter [tilespmem:s20], [sflag:$0x4], $0x2710, $0x38;
	[tilespmem:$0x16B00] =	vst v63  }
0x145: {  	_ =	swait.ge [sflag:s24], $0x2710  }
0x146: {  	[sflag:s24] =	ssyncset.done $0x0  }
0x147: {  	[sflag:s24] =	ssyncadd.s32 $0xFFFFD8F0  }
0x148: {  	[hbm4b:s9+s3] =	stream.linear.scatter [tilespmem:s21], [sflag:$0x4], $0x2710, $0x38;
	[tilespmem:$0x16B00] =	vst v63  }
0x149: {  	s25 =	sadd.s32 $0x1, s25;
	_ =	swait.ge [sflag:s24], $0x2710  }
0x14a: {  	p0 =	sne.s32 s25, s11;
	[sflag:s24] =	ssyncset.done $0x0  }
.Ltmp4:
0x14b: {  	[sflag:s24] =	ssyncadd.s32 $0xFFFFD8F0;
	(pc) =	sbr.rel @p0 .LBB2_1-.Ltmp4, $4  }
0x14c: {  	[hbm4b:s10+s3] =	stream.linear.scatter [tilespmem:s22], [sflag:$0x4], $0x2710, $0x38;
	[tilespmem:$0x16B00] =	vst v63  }
0x14d: {  	_ =	swait.ge [sflag:s24], $0x2710  }
0x14e: {  	[sflag:s24] =	ssyncset.done $0x0  }
0x14f: {  	[sflag:s24] =	ssyncadd.s32 $0xFFFFD8F0  }
0x150: {  	_ =	sfence.sel $0x180000  }
0x151: {  	[bflag:$0x0] =	sbarrier.arrive $0xFFFF  }
0x152: {  	_ =	strace $0x90000047  }
0x153: {  	s0 =	stileid.u32;
	[bflag:$0x2] =	sbarrier.arrive $0xFFFF  }
0x154: {  	p0 =	sne.s32 s0, $0x0;
	s0 =	rddreg [dreg:$0x3]  }
0x155: {  	s0 =	sadd.s32 @!p0 $0x100000, s0  }
0x156: {  	[sflag:s0] =	ssyncadd.tile.s32 @!p0 $0x1;
	_ =	shalt  }
.Lfunc_end2:
_tile_overlayer_lowered:
.L_overlay_start_2:
0x157: {  	(tag) =	ssettag $0x2  }
0x158: {  	s0 =	rddreg [dreg:$0x0];
	s2 =	stileid.u32  }
0x159: {  	s1 =	rddreg [dreg:$0x1];
	p0 =	sne.s32 s2, $0x0  }
0x15a: {  	s3 =	rddreg [dreg:$0x2];
	[bflag:$0x3] =	sbarrier.arrive $0xFFFF;
	s2 =	simm.s32 @!p0 $0x1C04  }
0x15b: {  	[timem:s3], [sflag:s2] =	dma.local @!p0 [hbm:s0], s1  }
0x15c: {  	s0 =	simm.s32 @!p0 $0x4  }
0x15d: {  	_ =	swait.ge @!p0 [sflag:s0], s1  }
0x15e: {  	s1 =	ssub.s32 @!p0 $0x0, s1;
	[sflag:s0] =	ssyncset.done @!p0 $0x0  }
0x15f: {  	[sflag:s0] =	ssyncadd.s32 @!p0 s1  }
0x160: {  	[bflag:$0x3] =	sbarrier.arrive $0xFFFF  }
0x161: {  	_ =	shalt  }

// kernel: kernel.9.cloned.1.call-start
scs
__scs_entry_jumppad:
0x0: {  	(pc) =	sbr.rel $0x88, $3  }
0x1: {  	(tag) =	ssettag $0x0;
	lr =	simm.s32 $0x1  }
0x2: {  	[smem:$0x3F9A] =	sst lr;
	_ =	strace $0xD0000000  }
0x3: {  	_ = 	snop  }
0x4: {  	_ = 	snop  }
0x5: {  	_ = 	snop  }
0x6: {  	_ = 	snop  }
0x7: {  	_ = 	snop  }
__scs_overlays_trampoline_lowered:
0x8: {  	[smem:$0x3FA9] =	sst s0  }
0x9: {  	[smem:$0x3FAA] =	sst s1  }
0xa: {  	[smem:$0x3FAB] =	sst s2  }
0xb: {  	[smem:$0x3FAC] =	sst s3  }
0xc: {  	[smem:$0x3FAD] =	sst s4  }
0xd: {  	[smem:$0x3FAE] =	sst s5  }
0xe: {  	[smem:$0x3FAF] =	sst s6  }
0xf: {  	[smem:$0x3FB0] =	sst s7  }
0x10: {  	[smem:$0x3FB1] =	sst s8  }
0x11: {  	[smem:$0x3FB2] =	sst s9;
	s0 =	simm.s32 @!p0 $0x0  }
0x12: {  	s1 =	sld [smem:$0x3F98];
	s0 =	simm.s32 @p0 $0x1  }
0x13: {  	[smem:$0x3FB3] =	sst s0;
	s0 =	simm.s32 @!p1 $0x0  }
0x14: {  	s2 =	sld [smem:$0x3F97];
	s0 =	simm.s32 @p1 $0x1  }
0x15: {  	[smem:$0x3FB4] =	sst s0;
	s0 =	simm.s32 @!p2 $0x0  }
0x16: {  	s3 =	sld [smem:$0x3FDB];
	s0 =	simm.s32 @p2 $0x1  }
0x17: {  	s4 =	simm.s32 $0x1BF5;
	[smem:$0x3FB6] =	sst s0  }
0x18: {  	s0 =	sld [smem:$0x3F99];
	_ =	swait.ge [sflag:s4], $0x0  }
0x19: {  	s7 =	sld [smem:$0x3F9A]  }
0x1a: {  	s8 =	sadd.s32 $0xFFFFE003, lr  }
0x1b: {  	s9 =	sadd.s32 $0xFFFFFEF7, lr;
	s5 =	simm.s32 $0xFFFFFFFF;
	p2 =	slt.u32 s8, $0xFFFFF086  }
0x1c: {  	p1 =	slt.u32 s9, $0xF7A;
	s5 =	simm.s32 @!p2 $0x0  }
0x1d: {  	s5 =	simm.s32 @p1 $0x1;
	p0 =	seq.s32 s7, s2  }
0x1e: {  	s7 =	smul.u32 @!p0 $0xF7A, s2;
	p2 =	seq.s32 @!p0 s5, $0x0  }
0x1f: {  	s9 =	smul.u32 $0xF7A, s1;
	s8 =	simm.s32 @!p0 $0x1BF5;
	p2 =	por !p2, p0  }
0x20: {  	[sflag:s8] =	ssyncset.s32 @!p0 $0xFFFFF086;
	s6 =	sadd.s32 @!p0 s3, s7;
	s7 =	simm.s32 @!p0 $0x108  }
0x21: {  	s3 =	sadd.s32 s3, s9;
	s6 =	sadd.s32 @!p0 $0x88, s6;
	s7 =	simm.s32 @p2 $0x1082  }
0x22: {  	[simem:s7], [sflag:s8] =	dma.local @!p0 [hbm:s6], $0xF7A  }
0x23: {  	s9 =	sor.u32 $0xD0000000, s2;
	s6 =	simm.s32 $0x108;
	_ =	swait.ge @!p0 [sflag:s8], $0x0  }
0x24: {  	s3 =	sadd.s32 $0x88, s3;
	s6 =	simm.s32 @!p1 $0x1082;
	[sflag:s4] =	ssyncset.s32 $0xFFFFF086  }
0x25: {  	[simem:s6], [sflag:s4] =	dma.local [hbm:s3], $0xF7A  }
0x26: {  	[smem:$0x3F9A] =	sst s1;
	(tag) =	ssettag s2;
	_ =	strace s9  }
0x27: {  	s1 =	sld [smem:$0x3FAA]  }
0x28: {  	s2 =	sld [smem:$0x3FAB]  }
0x29: {  	s4 =	sld [smem:$0x3FAD]  }
0x2a: {  	p0 =	seq.s32 s5, $0x0;
	s5 =	sld [smem:$0x3FAE]  }
0x2b: {  	s6 =	sld [smem:$0x3FAF]  }
0x2c: {  	s7 =	sld [smem:$0x3FB0]  }
0x2d: {  	s3 =	simm.s32 $0x108;
	s8 =	sld [smem:$0x3FB1]  }
0x2e: {  	s3 =	simm.s32 @!p0 $0x1082;
	s9 =	sld [smem:$0x3FB2]  }
0x2f: {  	lr =	sadd.s32 s0, s3;
	s0 =	sld [smem:$0x3FA9]  }
0x30: {  	s3 =	sld [smem:$0x3FAC]  }
0x31: {  	[smem:$0x3FB5] =	sst s10  }
0x32: {  	s10 =	sld [smem:$0x3FB3];
	_ =	sdelay $0x3  }
0x33: {  	p0 =	seq.s32 s10, $0x1;
	s10 =	sld [smem:$0x3FB5];
	_ =	sdelay $0x3  }
0x34: {  	[smem:$0x3FB5] =	sst s10  }
0x35: {  	s10 =	sld [smem:$0x3FB4];
	_ =	sdelay $0x3  }
0x36: {  	p1 =	seq.s32 s10, $0x1;
	s10 =	sld [smem:$0x3FB5];
	_ =	sdelay $0x3  }
0x37: {  	[smem:$0x3FB5] =	sst s10  }
0x38: {  	s10 =	sld [smem:$0x3FB6]  }
0x39: {  	_ = 	snop;
	(pc) =	sbr.ind lr, $3  }
0x3a: {  	_ = 	snop  }
0x3b: {  	_ = 	snop  }
0x3c: {  	p2 =	seq.s32 s10, $0x1;
	s10 =	sld [smem:$0x3FB5]  }
0x3d: {  	_ =	shalt  }
0x3e: {  	_ =	shalt  }
0x3f: {  	_ =	shalt  }
0x40: {  	_ =	shalt  }
0x41: {  	_ =	shalt  }
0x42: {  	_ =	shalt  }
0x43: {  	_ =	shalt  }
0x44: {  	_ =	shalt  }
0x45: {  	_ =	shalt  }
0x46: {  	_ =	shalt  }
0x47: {  	_ =	shalt  }
0x48: {  	_ =	shalt  }
0x49: {  	_ =	shalt  }
0x4a: {  	_ =	shalt  }
0x4b: {  	_ =	shalt  }
0x4c: {  	_ =	shalt  }
0x4d: {  	_ =	shalt  }
0x4e: {  	_ =	shalt  }
0x4f: {  	_ =	shalt  }
0x50: {  	_ =	shalt  }
0x51: {  	_ =	shalt  }
0x52: {  	_ =	shalt  }
0x53: {  	_ =	shalt  }
0x54: {  	_ =	shalt  }
0x55: {  	_ =	shalt  }
0x56: {  	_ =	shalt  }
0x57: {  	_ =	shalt  }
0x58: {  	_ =	shalt  }
0x59: {  	_ =	shalt  }
0x5a: {  	_ =	shalt  }
0x5b: {  	_ =	shalt  }
0x5c: {  	_ =	shalt  }
0x5d: {  	_ =	shalt  }
0x5e: {  	_ =	shalt  }
0x5f: {  	_ =	shalt  }
0x60: {  	_ =	shalt  }
0x61: {  	_ =	shalt  }
0x62: {  	_ =	shalt  }
0x63: {  	_ =	shalt  }
0x64: {  	_ =	shalt  }
0x65: {  	_ =	shalt  }
0x66: {  	_ =	shalt  }
0x67: {  	_ =	shalt  }
0x68: {  	_ =	shalt  }
0x69: {  	_ =	shalt  }
0x6a: {  	_ =	shalt  }
0x6b: {  	_ =	shalt  }
0x6c: {  	_ =	shalt  }
0x6d: {  	_ =	shalt  }
0x6e: {  	_ =	shalt  }
0x6f: {  	_ =	shalt  }
0x70: {  	_ =	shalt  }
0x71: {  	_ =	shalt  }
0x72: {  	_ =	shalt  }
0x73: {  	_ =	shalt  }
0x74: {  	_ =	shalt  }
0x75: {  	_ =	shalt  }
0x76: {  	_ =	shalt  }
0x77: {  	_ =	shalt  }
0x78: {  	_ =	shalt  }
0x79: {  	_ =	shalt  }
0x7a: {  	_ =	shalt  }
0x7b: {  	_ =	shalt  }
0x7c: {  	_ =	shalt  }
0x7d: {  	_ =	shalt  }
0x7e: {  	_ =	shalt  }
0x7f: {  	_ =	shalt  }
0x80: {  	_ =	shalt  }
0x81: {  	_ =	shalt  }
0x82: {  	_ =	shalt  }
0x83: {  	_ =	shalt  }
0x84: {  	_ =	shalt  }
0x85: {  	_ =	shalt  }
0x86: {  	_ =	shalt  }
0x87: {  	_ =	shalt  }
.Lfunc_end0:
.L_simem_size_0:
called_computation.1_lowered:
.L_overlay_start_0:
0x88: {  	s2 =	sld [smem:$0x3FD9]  }
0x89: {  	s3 =	sld [smem:$0x3FFE];
	_ =	sdelay $0x1  }
0x8a: {  	s1 =	srdreg.scid  }
0x8b: {  	s0 =	sand.u32 $0x1, s1  }
0x8c: {  	s17 =	sshll.u32 s0, $0xA;
	s2 =	sadd.s32 s3, s2  }
0x8d: {  	s2 =	sadd.s32 s2, s17  }
0x8e: {  	[smem:$0x3FC1] =	sst s2  }
0x8f: {  	_ = 	snop  }
0x90: {  	s2 =	sld [smem:$0x3FC8]  }
0x91: {  	s18 =	sld [smem:$0x3FD0];
	(tm) =	ssettm $0x1  }
0x92: {  	s4 =	sld [smem:$0x3FFB];
	_ =	sdelay $0x3  }
0x93: {  	_ =	strace s4  }
0x94: {  	s4 =	sld [smem:$0x3FFC];
	_ =	sdelay $0x3  }
0x95: {  	_ =	strace s4  }
0x96: {  	s4 =	sld [smem:$0x3FFD];
	_ =	sdelay $0x3  }
0x97: {  	_ =	strace s4  }
0x98: {  	_ =	strace $0x8FFFFFFF  }
0x99: {  	s19 =	sld [smem:$0x3FDB];
	_ =	sdelay $0x1  }
0x9a: {  	s5 =	simm.s32 $_scs_section_size  }
0x9b: {  	s6 =	simm.s32 $_size__tile_overlayer_lowered;
	s7 =	simm.s32 $_tile_overlayer_lowered  }
0x9c: {  	s22 =	simm.s32 $0x1BFF;
	s21 =	sshll.u32 s7, $0x1;
	s4 =	sadd.s32 s5, s19  }
0x9d: {  	s8 =	simm.s32 $0x0;
	s20 =	sshll.u32 s6, $0x1;
	s6 =	sadd.s32 s21, s4  }
0x9e: {  	[timem:s8], [sflag:s22] =	dma.local [hbm:s6], s20  }
0x9f: {  	_ =	swait.ge [sflag:s22], s20  }
0xa0: {  	s5 =	ssub.s32 $0x0, s20;
	[sflag:s22] =	ssyncset.done $0x0  }
0xa1: {  	[sflag:s22] =	ssyncadd.s32 s5;
	_ =	sdelay $0x1  }
0xa2: {  	s23 =	simm.s32 $0x1B8B  }
0xa3: {  	_ =	swait.ge [sflag:s23], $0x1  }
0xa4: {  	[sflag:s23] =	ssyncset.done $0x0  }
0xa5: {  	s25 =	simm.s32 $0x1B8E;
	s24 =	sld [smem:$0x3FFE];
	[sflag:s23] =	ssyncadd.s32 $0xFFFFFFFF  }
0xa6: {  	s26 =	simm.s32 $execute0_lowered;
	[smem:$0x3FD2] =	sst s25  }
0xa7: {  	s6 =	sshll.u32 s26, $0x1;
	_ =	strace $0x80000049;
	[dreg:$0x1] =	wrdreg $0xFFFFFFFF  }
0xa8: {  	s28 =	simm.s32 $_size_execute0_lowered;
	s4 =	sadd.s32 s4, s6;
	[dreg:$0x0] =	wrdreg $0x0  }
0xa9: {  	s6 =	sshll.u32 s28, $0x1;
	[dreg:$0x2] =	wrdreg s4  }
0xaa: {  	[dreg:$0x3] =	wrdreg s6  }
0xab: {  	[dreg:$0x4] =	wrdreg $0xC0  }
0xac: {  	_ =	task [dreg:s8], $0x5FFFF  }
0xad: {  	[dreg:$0x1] =	wrdreg $0xFFFFFFFF  }
0xae: {  	[dreg:$0x0] =	wrdreg $0x60  }
0xaf: {  	[dreg:$0x2] =	wrdreg s24  }
0xb0: {  	[dreg:$0x3] =	wrdreg s2  }
0xb1: {  	[dreg:$0x4] =	wrdreg s18  }
0xb2: {  	[dreg:$0x5] =	wrdreg $0x9  }
0xb3: {  	_ =	task.clear_ibuf [dreg:s8], $0x6FFFF;
	_ =	strace $0x90000049  }
0xb4: {  	s29 =	simm.s32 $0x9;
	_ =	strace $0x8000004B  }
0xb5: {  	_ =	swait.ge [sflag:s29], $0x1  }
0xb6: {  	[sflag:s29] =	ssyncadd.s32 $0xFFFFFFFF  }
0xb7: {  	_ =	strace $0x9000004B  }
0xb8: {  	_ =	sfence  }
0xb9: {  	s30 =	sld [smem:$0x0];
	_ =	sdelay $0x2  }
0xba: {  	s31 =	sshll.u32 s1, $0xD;
	s1 =	sshrl.u32 s1, $0x2  }
0xbb: {  	s3 =	sand.u32 $0x4000, s31;
	s1 =	sadd.s32 s1, s30  }
0xbc: {  	s0 =	sor.u32 s3, s0;
	s1 =	sshll.u32 s1, $0x11  }
0xbd: {  	s0 =	sor.u32 s1, s0  }
0xbe: {  	s0 =	sadd.s32 $0x8F2B, s0  }
0xbf: {  	[sflag:s0] =	ssyncadd.remote.s32 $0x1  }
0xc0: {  	_ =	sfence.sel $0xFFFF  }
0xc1: {  	[dreg:$0x0] =	wrdreg $0xFFFFFFFF;
	(pc) =	sbr.abs _section_cstart, $3  }
0xc2: {  	[dreg:$0x1] =	wrdreg $0xFFFFFFFF  }
0xc3: {  	_ =	task.clear_ibuf [dreg:s8], $0x2FFFF;
	_ =	strace $0x9FFFFFFF  }
0xc4: {  	(tm) =	ssettm $0x7FFFFFFF  }
0xc5: {  	_ =	shalt  }
tec
execute0_lowered:
.L_overlay_start_1:
0x0: {  	(tag) =	ssettag $0x1  }
0x1: {  	s0 =	rddreg [dreg:$0x0]  }
0x2: {  	s2 =	rddreg [dreg:$0x1]  }
0x3: {  	s1 =	srdreg.scid;
	s3 =	stileid.u32  }
0x4: {  	s9 =	rddreg [dreg:$0x2];
	s12 =	simm.s32 $0x2780;
	s13 =	simm.s32 $0xED00  }
0x5: {  	s14 =	simm.s32 $0x10C80;
	s15 =	simm.s32 $0x3;
	s16 =	simm.s32 $0x12C00  }
0x6: {  	s17 =	simm.s32 $0x14B80;
	s18 =	simm.s32 $0x1;
	s19 =	simm.s32 $0x4F00  }
0x7: {  	s20 =	simm.s32 $0x7680;
	s21 =	simm.s32 $0x9E00;
	s22 =	simm.s32 $0xC580  }
0x8: {  	s23 =	simm.s32 $0x2;
	s1 =	sand.u32 $0x1, s1;
	s4 =	sshll.u32 s3, $0x1  }
0x9: {  	s24 =	simm.s32 $0x4;
	s3 =	simm.s32 $0x0;
	s4 =	sor.u32 s1, s4  }
0xa: {  	[smem:$0x7FF] =	sst s3;
	s1 =	ssub.s32 $0x2, s1;
	s5 =	smul.u32 $0x4E20, s4  }
0xb: {  	s25 =	simm.s32 $0x0;
	_ =	strace $0x8000004A;
	s6 =	sshrl.u32 s1, $0x1  }
0xc: {  	s4 =	sadd.s32 $0x1000, s0;
	s1 =	ssub.s32 s1, s6;
	s7 =	sshrl.u32 s5, $0x3  }
0xd: {  	s0 =	sadd.s32 $0xAE00, s0;
	s11 =	smax.u32 s1, $0x1;
	s10 =	sadd.s32 $0x4E2, s7  }
0xe: {  	s5 =	sadd.s32 s0, s7;
	s7 =	sadd.s32 s9, s7;
	s6 =	sadd.s32 s0, s10  }
0xf: {  	v0 =	vimm.f32 $0.0e+00;
	s8 =	sadd.s32 $0x13880, s7;
	s9 =	sadd.s32 s9, s10;
	s10 =	sadd.s32 $0x13D62, s7  }
.LBB2_1:
0x10: {  	[tilespmem:s3], [sflag:$0x3] =	stream.linear.gather [hbm4b:s5+s3], $0x2710, $0x38;
	[tilespmem:$0x16B00] =	vst v63  }
0x11: {  	_ = 	snop  }
0x12: {  	[tilespmem:s12], [sflag:$0x3] =	stream.linear.gather [hbm4b:s6+s3], $0x2710, $0x38;
	[tilespmem:$0x16B00] =	vst v63  }
0x13: {  	_ = 	snop  }
0x14: {  	[tilespmem:s13], [sflag:$0x1] =	stream.linear.gather [hbm4b:s4+s3], $0x1F40, $0x38;
	[tilespmem:$0x16B00] =	vst v63  }
0x15: {  	s29 =	simm.s32 $0x4F40  }
0x16: {  	[tilespmem:s14], [sflag:$0x1] =	stream.linear.gather [hbm4b:s2+s3], $0x1F40, $0x38;
	[tilespmem:$0x16B00] =	vst v63  }
0x17: {  	[tilespmem:s29+$0x30] =	vst v0  }
0x18: {  	[tilespmem:s29+$0xFFFFFFE0] =	vst v0  }
0x19: {  	[tilespmem:s29+$0xFFFFFFF0] =	vst v0  }
0x1a: {  	[tilespmem:s29+$0x0] =	vst v0  }
0x1b: {  	[tilespmem:s29+$0xFFFFFFC0] =	vst v0  }
0x1c: {  	[tilespmem:s29+$0x10] =	vst v0  }
0x1d: {  	[tilespmem:s29+$0x20] =	vst v0  }
0x1e: {  	s28 =	simm.s32 $0x76C0;
	[tilespmem:s29+$0xFFFFFFD0] =	vst v0  }
0x1f: {  	[tilespmem:s28+$0x30] =	vst v0  }
0x20: {  	[tilespmem:s28+$0xFFFFFFC0] =	vst v0  }
0x21: {  	[tilespmem:s28+$0x10] =	vst v0  }
0x22: {  	[tilespmem:s28+$0xFFFFFFD0] =	vst v0  }
0x23: {  	[tilespmem:s28+$0x20] =	vst v0  }
0x24: {  	[tilespmem:s28+$0x0] =	vst v0  }
0x25: {  	s26 =	simm.s32 $0x9E40;
	[tilespmem:s28+$0xFFFFFFF0] =	vst v0  }
0x26: {  	[tilespmem:s26+$0x30] =	vst v0  }
0x27: {  	[tilespmem:s26+$0xFFFFFFC0] =	vst v0  }
0x28: {  	[tilespmem:s26+$0x10] =	vst v0  }
0x29: {  	[tilespmem:s26+$0xFFFFFFD0] =	vst v0  }
0x2a: {  	[tilespmem:s26+$0x20] =	vst v0  }
0x2b: {  	[tilespmem:s26+$0x0] =	vst v0  }
0x2c: {  	s30 =	simm.s32 $0xC5C0;
	[tilespmem:s26+$0xFFFFFFF0] =	vst v0  }
0x2d: {  	[tilespmem:s30+$0x30] =	vst v0  }
0x2e: {  	[tilespmem:s30+$0xFFFFFFC0] =	vst v0  }
0x2f: {  	[tilespmem:s30+$0x10] =	vst v0  }
0x30: {  	[tilespmem:s30+$0xFFFFFFD0] =	vst v0  }
0x31: {  	s31 =	simm.s32 $0x0;
	s1 =	simm.s32 $0x9EC0;
	s0 =	simm.s32 $0xC640;
	[tilespmem:s30+$0x20] =	vst v0  }
.LBB2_2:
0x32: {  	s31 =	sadd.s32 $0x8, s31;
	[tilespmem:s28+$0xFFFFFFE0] =	vst v0;
	s29 =	sadd.s32 $0x80, s29;
	s28 =	sadd.s32 $0x80, s28  }
0x33: {  	[tilespmem:s29+$0x30] =	vst v0;
	p0 =	slt.u32 s31, $0x268  }
0x34: {  	[tilespmem:s28+$0x30] =	vst v0  }
0x35: {  	[tilespmem:s1+$0x30] =	vst v0  }
0x36: {  	[tilespmem:s30+$0xFFFFFFF0] =	vst v0  }
0x37: {  	[tilespmem:s30+$0x0] =	vst v0  }
0x38: {  	[tilespmem:s26+$0xFFFFFFE0] =	vst v0;
	s26 =	smov.u32 s1  }
0x39: {  	[tilespmem:s30+$0xFFFFFFE0] =	vst v0;
	s30 =	smov.u32 s0  }
0x3a: {  	[tilespmem:s0+$0x30] =	vst v0  }
0x3b: {  	[tilespmem:s29+$0xFFFFFFE0] =	vst v0  }
0x3c: {  	[tilespmem:s29+$0xFFFFFFF0] =	vst v0  }
0x3d: {  	[tilespmem:s29+$0x0] =	vst v0  }
0x3e: {  	[tilespmem:s29+$0xFFFFFFC0] =	vst v0  }
0x3f: {  	[tilespmem:s28+$0xFFFFFFC0] =	vst v0  }
0x40: {  	[tilespmem:s1+$0xFFFFFFC0] =	vst v0  }
0x41: {  	[tilespmem:s0+$0xFFFFFFC0] =	vst v0  }
0x42: {  	[tilespmem:s29+$0x10] =	vst v0  }
0x43: {  	[tilespmem:s28+$0x10] =	vst v0  }
0x44: {  	[tilespmem:s1+$0x10] =	vst v0  }
0x45: {  	[tilespmem:s0+$0x10] =	vst v0  }
0x46: {  	[tilespmem:s29+$0x20] =	vst v0  }
0x47: {  	[tilespmem:s29+$0xFFFFFFD0] =	vst v0  }
0x48: {  	[tilespmem:s28+$0xFFFFFFD0] =	vst v0  }
0x49: {  	[tilespmem:s1+$0xFFFFFFD0] =	vst v0  }
0x4a: {  	[tilespmem:s0+$0xFFFFFFD0] =	vst v0  }
0x4b: {  	[tilespmem:s28+$0x20] =	vst v0  }
0x4c: {  	[tilespmem:s1+$0x20] =	vst v0  }
.Ltmp0:
0x4d: {  	[tilespmem:s0+$0x20] =	vst v0;
	(pc) =	sbr.rel @p0 .LBB2_2-.Ltmp0, $4  }
0x4e: {  	[tilespmem:s28+$0x0] =	vst v0  }
0x4f: {  	[tilespmem:s1+$0x0] =	vst v0  }
0x50: {  	[tilespmem:s28+$0xFFFFFFF0] =	vst v0  }
0x51: {  	s0 =	sadd.s32 $0x80, s0;
	s1 =	sadd.s32 $0x80, s1;
	[tilespmem:s26+$0xFFFFFFF0] =	vst v0  }
0x52: {  	[tilespmem:s28+$0xFFFFFFE0] =	vst v0  }
0x53: {  	[tilespmem:s30+$0xFFFFFFF0] =	vst v0  }
0x54: {  	[tilespmem:s30+$0x0] =	vst v0  }
0x55: {  	[tilespmem:s26+$0xFFFFFFE0] =	vst v0  }
0x56: {  	[tilespmem:s30+$0xFFFFFFE0] =	vst v0  }
0x57: {  	[tilespmem:$0x7600] =	vst v0  }
0x58: {  	[tilespmem:$0x9D80] =	vst v0  }
0x59: {  	[tilespmem:$0xC500] =	vst v0  }
0x5a: {  	[tilespmem:$0xEC80] =	vst v0  }
0x5b: {  	_ =	swait.ge [sflag:s15], $0x2710  }
0x5c: {  	[sflag:s15] =	ssyncset.done $0x0  }
0x5d: {  	[sflag:s15] =	ssyncadd.s32 $0xFFFFD8F0  }
0x5e: {  	_ =	swait.ge [sflag:s15], $0x2710  }
0x5f: {  	[sflag:s15] =	ssyncset.done $0x0  }
0x60: {  	s26 =	simm.s32 $0x0;
	[sflag:s15] =	ssyncadd.s32 $0xFFFFD8F0  }
.LBB2_4:
0x61: {  	s28 =	smul.u32 $0x3E80, s26;
	_ =	sdelay $0x1  }
0x62: {  	s0 =	sshrl.u32 s28, $0x3  }
0x63: {  	s0 =	sadd.s32 $0x3E8, s0  }
0x64: {  	s1 =	sadd.s32 s4, s0  }
0x65: {  	[tilespmem:s16], [sflag:$0x2] =	stream.linear.gather [hbm4b:s1+s3], $0x1F40, $0x38;
	[tilespmem:$0x16B00] =	vst v63  }
0x66: {  	s0 =	sadd.s32 s2, s0  }
0x67: {  	[tilespmem:s17], [sflag:$0x2] =	stream.linear.gather [hbm4b:s0+s3], $0x1F40, $0x38;
	[tilespmem:$0x16B00] =	vst v63  }
0x68: {  	_ =	swait.ge [sflag:s18], $0x1F40  }
0x69: {  	[sflag:s18] =	ssyncset.done $0x0  }
0x6a: {  	[sflag:s18] =	ssyncadd.s32 $0xFFFFE0C0  }
0x6b: {  	_ =	swait.ge [sflag:s18], $0x1F40  }
0x6c: {  	[sflag:s18] =	ssyncset.done $0x0  }
0x6d: {  	s1 =	simm.s32 $0xED20;
	[sflag:s18] =	ssyncadd.s32 $0xFFFFE0C0  }
0x6e: {  	v1 =	vld [tilespmem:s1+$0x10]  }
0x6f: {  	v3 =	vld [tilespmem:s1+$0xFFFFFFE0];
	_ =	sdelay $0x3  }
0x70: {  	v2 =	vld [tilespmem:s1+$0xFFFFFFF0];
	v5 =	vand.u32 $0x3FFF, v1  }
0x71: {  	v7 =	vand.u32 $0x3FFF, v3  }
0x72: {  	s29 =	simm.s32 $0x10CE0;
	v4 =	vld [tilespmem:s1+$0x0]  }
0x73: {  	s1 =	simm.s32 $0x10CA0;
	v60 =	vld [tilespmem:s29+$0x10]  }
0x74: {  	v10 =	vld [tilespmem:s1+$0x10]  }
0x75: {  	v6 =	vand.u32 $0x3FFF, v2;
	v9 =	vld.idx.msk [tilespmem:v5+s3+$0x0], $0xffff  }
0x76: {  	v12 =	vld.idx.msk [tilespmem:v7+s3+$0x0], $0xffff  }
0x77: {  	v14 =	vld [tilespmem:s1+$0xFFFFFFE0];
	v8 =	vand.u32 $0x3FFF, v4  }
0x78: {  	v16 =	vld [tilespmem:s1+$0xFFFFFFF0];
	v13 =	vshrl.u32 v1, $0xE  }
0x79: {  	v17 =	vld [tilespmem:s1+$0x0];
	v3 =	vshrl.u32 v3, $0xE  }
0x7a: {  	s1 =	simm.s32 $0xED60;
	v11 =	vld.idx.msk [tilespmem:v6+s3+$0x0], $0xffff;
	v1 =	vshll.u32 v9, $0x10  }
0x7b: {  	v55 =	vld [tilespmem:s1+$0x0];
	v18 =	vshll.u32 v12, $0x10;
	v1 =	vmul.f32 v1, v10  }
0x7c: {  	v15 =	vld.idx.msk [tilespmem:v8+s3+$0x0], $0xffff;
	v9 =	vand.u32 $0xFFFF0000, v9;
	v18 =	vmul.f32 v18, v14  }
0x7d: {  	v2 =	vshrl.u32 v2, $0xE;
	v9 =	vmul.f32 v9, v10;
	[tilespmem:v13+s19+$0x0] =	vst.idx.add.f32.msk $0xffff, v1  }
0x7e: {  	v12 =	vand.u32 $0xFFFF0000, v12;
	[tilespmem:v3+s19+$0x0] =	vst.idx.add.f32.msk $0xffff, v18  }
0x7f: {  	v1 =	vshrl.u32 v4, $0xE;
	v4 =	vshll.u32 v11, $0x10;
	[tilespmem:v13+s20+$0x0] =	vst.idx.add.f32.msk $0xffff, v9;
	v9 =	vmul.f32 v12, v14  }
0x80: {  	v11 =	vand.u32 $0xFFFF0000, v11;
	v4 =	vmul.f32 v4, v16;
	v5 =	vld.idx.msk [tilespmem:v5+s12+$0x0], $0xffff  }
0x81: {  	v54 =	vshll.u32 v15, $0x10;
	v11 =	vmul.f32 v11, v16;
	[tilespmem:v3+s20+$0x0] =	vst.idx.add.f32.msk $0xffff, v9  }
0x82: {  	v12 =	vmul.f32 v54, v17;
	v9 =	vand.u32 $0xFFFF0000, v15;
	[tilespmem:v2+s19+$0x0] =	vst.idx.add.f32.msk $0xffff, v4  }
0x83: {  	v4 =	vmul.f32 v9, v17;
	[tilespmem:v2+s20+$0x0] =	vst.idx.add.f32.msk $0xffff, v11  }
0x84: {  	[tilespmem:v1+s19+$0x0] =	vst.idx.add.f32.msk $0xffff, v12  }
0x85: {  	[tilespmem:v1+s20+$0x0] =	vst.idx.add.f32.msk $0xffff, v4;
	v4 =	vshll.u32 v5, $0x10  }
0x86: {  	v6 =	vld.idx.msk [tilespmem:v6+s12+$0x0], $0xffff;
	v4 =	vmul.f32 v4, v10  }
0x87: {  	v11 =	vld [tilespmem:s1+$0xFFFFFFE0]  }
0x88: {  	v5 =	vand.u32 $0xFFFF0000, v5;
	[tilespmem:v13+s21+$0x0] =	vst.idx.add.f32.msk $0xffff, v4  }
0x89: {  	v4 =	vmul.f32 v5, v10;
	v5 =	vld [tilespmem:s1+$0x10]  }
0x8a: {  	v7 =	vld.idx.msk [tilespmem:v7+s12+$0x0], $0xffff  }
0x8b: {  	v8 =	vld.idx.msk [tilespmem:v8+s12+$0x0], $0xffff;
	v9 =	vshll.u32 v6, $0x10  }
0x8c: {  	v58 =	vand.u32 $0x3FFF, v11;
	v10 =	vld [tilespmem:s1+$0xFFFFFFF0];
	v9 =	vmul.f32 v9, v16  }
0x8d: {  	v6 =	vand.u32 $0xFFFF0000, v6;
	[tilespmem:v13+s22+$0x0] =	vst.idx.add.f32.msk $0xffff, v4  }
0x8e: {  	v6 =	vmul.f32 v6, v16;
	[tilespmem:v2+s21+$0x0] =	vst.idx.add.f32.msk $0xffff, v9;
	v56 =	vand.u32 $0x3FFF, v5  }
0x8f: {  	v4 =	vshll.u32 v7, $0x10;
	v9 =	vld [tilespmem:s29+$0xFFFFFFE0]  }
0x90: {  	v4 =	vmul.f32 v4, v14;
	[tilespmem:v2+s22+$0x0] =	vst.idx.add.f32.msk $0xffff, v6  }
0x91: {  	v7 =	vand.u32 $0xFFFF0000, v7;
	v19 =	vld.idx.msk [tilespmem:v58+s3+$0x0], $0xffff;
	v57 =	vand.u32 $0x3FFF, v10  }
0x92: {  	v7 =	vmul.f32 v7, v14;
	[tilespmem:v3+s21+$0x0] =	vst.idx.add.f32.msk $0xffff, v4  }
0x93: {  	v2 =	vld.idx.msk [tilespmem:v56+s3+$0x0], $0xffff  }
0x94: {  	v4 =	vand.u32 $0x3FFF, v55;
	[tilespmem:v3+s22+$0x0] =	vst.idx.add.f32.msk $0xffff, v7;
	v3 =	vshll.u32 v8, $0x10  }
0x95: {  	v21 =	vshrl.u32 v5, $0xE;
	v5 =	vshrl.u32 v11, $0xE;
	v7 =	vld [tilespmem:s29+$0xFFFFFFF0];
	v3 =	vmul.f32 v3, v17  }
0x96: {  	v59 =	vld.idx.msk [tilespmem:v57+s3+$0x0], $0xffff  }
0x97: {  	[tilespmem:v1+s21+$0x0] =	vst.idx.add.f32.msk $0xffff, v3;
	v3 =	vshrl.u32 v10, $0xE;
	v10 =	vshll.u32 v19, $0x10  }
0x98: {  	v6 =	vld [tilespmem:s29+$0x0];
	v10 =	vmul.f32 v10, v9;
	v22 =	vshll.u32 v2, $0x10  }
0x99: {  	v20 =	vld.idx.msk [tilespmem:v4+s3+$0x0], $0xffff;
	v2 =	vand.u32 $0xFFFF0000, v2;
	v11 =	vmul.f32 v22, v60  }
0x9a: {  	[tilespmem:v5+s19+$0x0] =	vst.idx.add.f32.msk $0xffff, v10;
	v2 =	vmul.f32 v2, v60  }
0x9b: {  	v61 =	vshll.u32 v59, $0x10;
	[tilespmem:v21+s19+$0x0] =	vst.idx.add.f32.msk $0xffff, v11  }
0x9c: {  	v12 =	vmul.f32 v61, v7;
	v11 =	vand.u32 $0xFFFF0000, v19;
	[tilespmem:v21+s20+$0x0] =	vst.idx.add.f32.msk $0xffff, v2;
	v2 =	vshrl.u32 v55, $0xE  }
0x9d: {  	v16 =	vand.u32 $0xFFFF0000, v59;
	v11 =	vmul.f32 v11, v9;
	v13 =	vld.idx.msk [tilespmem:v56+s12+$0x0], $0xffff  }
0x9e: {  	v10 =	vshll.u32 v20, $0x10;
	v16 =	vmul.f32 v16, v7;
	[tilespmem:v3+s19+$0x0] =	vst.idx.add.f32.msk $0xffff, v12  }
0x9f: {  	v10 =	vmul.f32 v10, v6;
	[tilespmem:v5+s20+$0x0] =	vst.idx.add.f32.msk $0xffff, v11;
	v11 =	vand.u32 $0xFFFF0000, v20  }
0xa0: {  	[tilespmem:v3+s20+$0x0] =	vst.idx.add.f32.msk $0xffff, v16;
	v11 =	vmul.f32 v11, v6  }
0xa1: {  	[tilespmem:v2+s19+$0x0] =	vst.idx.add.f32.msk $0xffff, v10  }
0xa2: {  	[tilespmem:v2+s20+$0x0] =	vst.idx.add.f32.msk $0xffff, v11;
	v10 =	vshll.u32 v13, $0x10  }
0xa3: {  	v11 =	vld.idx.msk [tilespmem:v58+s12+$0x0], $0xffff;
	v62 =	vand.u32 $0xFFFF0000, v13;
	v63 =	vmul.f32 v10, v60  }
0xa4: {  	v10 =	vld.idx.msk [tilespmem:v57+s12+$0x0], $0xffff;
	v12 =	vmul.f32 v62, v60  }
0xa5: {  	v8 =	vand.u32 $0xFFFF0000, v8;
	[tilespmem:v21+s21+$0x0] =	vst.idx.add.f32.msk $0xffff, v63  }
0xa6: {  	s30 =	simm.s32 $0x4;
	s31 =	simm.s32 $0xEDA0;
	v8 =	vmul.f32 v8, v17;
	[tilespmem:v21+s22+$0x0] =	vst.idx.add.f32.msk $0xffff, v12  }
.LBB2_5:
0xa7: {  	v12 =	vld [tilespmem:s31+$0x10]  }
0xa8: {  	v13 =	vld [tilespmem:s31+$0xFFFFFFF0]  }
0xa9: {  	s30 =	sadd.s32 $0x4, s30;
	v15 =	vshll.u32 v11, $0x10;
	v11 =	vand.u32 $0xFFFF0000, v11;
	v14 =	vld [tilespmem:s31+$0x0]  }
0xaa: {  	p0 =	slt.u32 s30, $0x1F0;
	v15 =	vmul.f32 v15, v9;
	v17 =	vshll.u32 v10, $0x10;
	v10 =	vand.u32 $0xFFFF0000, v10;
	v16 =	vld [tilespmem:s31+$0xFFFFFFE0]  }
0xab: {  	v9 =	vmul.f32 v11, v9;
	v11 =	vmul.f32 v17, v7;
	v17 =	vld.idx.msk [tilespmem:v4+s12+$0x0], $0xffff  }
0xac: {  	v7 =	vmul.f32 v10, v7;
	v18 =	vand.u32 $0x3FFF, v12;
	[tilespmem:v5+s21+$0x0] =	vst.idx.add.f32.msk $0xffff, v15  }
0xad: {  	v10 =	vshrl.u32 v13, $0xE;
	v13 =	vand.u32 $0x3FFF, v13;
	[tilespmem:v5+s22+$0x0] =	vst.idx.add.f32.msk $0xffff, v9  }
0xae: {  	v9 =	vshrl.u32 v14, $0xE;
	v4 =	vand.u32 $0x3FFF, v14;
	[tilespmem:v3+s21+$0x0] =	vst.idx.add.f32.msk $0xffff, v11  }
0xaf: {  	v5 =	vshrl.u32 v16, $0xE;
	v11 =	vand.u32 $0x3FFF, v16;
	[tilespmem:v3+s22+$0x0] =	vst.idx.add.f32.msk $0xffff, v7;
	v3 =	vmov v10  }
0xb0: {  	[tilespmem:v1+s22+$0x0] =	vst.idx.add.f32.msk $0xffff, v8;
	v1 =	vmov v2;
	v2 =	vmov v9  }
0xb1: {  	v7 =	vshll.u32 v17, $0x10;
	v8 =	vand.u32 $0xFFFF0000, v17;
	v10 =	vld.idx.msk [tilespmem:v18+s3+$0x0], $0xffff  }
0xb2: {  	s29 =	sadd.s32 $0x40, s29;
	v15 =	vmul.f32 v7, v6;
	v8 =	vmul.f32 v8, v6;
	v14 =	vld.idx.msk [tilespmem:v13+s3+$0x0], $0xffff  }
0xb3: {  	v16 =	vld [tilespmem:s29+$0x10]  }
0xb4: {  	v17 =	vld.idx.msk [tilespmem:v11+s3+$0x0], $0xffff  }
0xb5: {  	v12 =	vshrl.u32 v12, $0xE;
	v19 =	vld.idx.msk [tilespmem:v4+s3+$0x0], $0xffff  }
0xb6: {  	v9 =	vld [tilespmem:s29+$0xFFFFFFE0]  }
0xb7: {  	v20 =	vshll.u32 v10, $0x10;
	v7 =	vld [tilespmem:s29+$0xFFFFFFF0]  }
0xb8: {  	v10 =	vand.u32 $0xFFFF0000, v10;
	v21 =	vshll.u32 v14, $0x10;
	v6 =	vld [tilespmem:s29+$0x0];
	v20 =	vmul.f32 v20, v16  }
0xb9: {  	v14 =	vand.u32 $0xFFFF0000, v14;
	v10 =	vmul.f32 v10, v16;
	[tilespmem:v1+s21+$0x0] =	vst.idx.add.f32.msk $0xffff, v15  }
0xba: {  	v15 =	vshll.u32 v17, $0x10;
	v17 =	vand.u32 $0xFFFF0000, v17;
	[tilespmem:v12+s19+$0x0] =	vst.idx.add.f32.msk $0xffff, v20  }
0xbb: {  	v20 =	vshll.u32 v19, $0x10;
	v19 =	vand.u32 $0xFFFF0000, v19;
	v15 =	vmul.f32 v15, v9;
	[tilespmem:v12+s20+$0x0] =	vst.idx.add.f32.msk $0xffff, v10  }
0xbc: {  	v10 =	vmul.f32 v17, v9;
	v17 =	vmul.f32 v21, v7;
	v18 =	vld.idx.msk [tilespmem:v18+s12+$0x0], $0xffff  }
0xbd: {  	v14 =	vmul.f32 v14, v7;
	[tilespmem:v5+s19+$0x0] =	vst.idx.add.f32.msk $0xffff, v15;
	v15 =	vmul.f32 v20, v6  }
0xbe: {  	[tilespmem:v5+s20+$0x0] =	vst.idx.add.f32.msk $0xffff, v10;
	v10 =	vmul.f32 v19, v6  }
0xbf: {  	[tilespmem:v3+s19+$0x0] =	vst.idx.add.f32.msk $0xffff, v17  }
0xc0: {  	[tilespmem:v3+s20+$0x0] =	vst.idx.add.f32.msk $0xffff, v14  }
0xc1: {  	[tilespmem:v2+s19+$0x0] =	vst.idx.add.f32.msk $0xffff, v15  }
.Ltmp1:
0xc2: {  	[tilespmem:v2+s20+$0x0] =	vst.idx.add.f32.msk $0xffff, v10;
	v10 =	vshll.u32 v18, $0x10;
	(pc) =	sbr.rel @p0 .LBB2_5-.Ltmp1, $4  }
0xc3: {  	v14 =	vand.u32 $0xFFFF0000, v18;
	v11 =	vld.idx.msk [tilespmem:v11+s12+$0x0], $0xffff;
	v15 =	vmul.f32 v10, v16  }
0xc4: {  	v10 =	vld.idx.msk [tilespmem:v13+s12+$0x0], $0xffff;
	v13 =	vmul.f32 v14, v16  }
0xc5: {  	[tilespmem:v12+s21+$0x0] =	vst.idx.add.f32.msk $0xffff, v15  }
0xc6: {  	s31 =	sadd.s32 $0x40, s31;
	[tilespmem:v12+s22+$0x0] =	vst.idx.add.f32.msk $0xffff, v13  }
0xc7: {  	_ =	sdelay $0x3  }
0xc8: {  	v4 =	vld.idx.msk [tilespmem:v4+s12+$0x0], $0xffff;
	v12 =	vshll.u32 v11, $0x10  }
0xc9: {  	v11 =	vand.u32 $0xFFFF0000, v11;
	v12 =	vmul.f32 v12, v9  }
0xca: {  	v13 =	vshll.u32 v10, $0x10;
	v9 =	vmul.f32 v11, v9  }
0xcb: {  	v10 =	vand.u32 $0xFFFF0000, v10;
	v11 =	vmul.f32 v13, v7;
	[tilespmem:v5+s21+$0x0] =	vst.idx.add.f32.msk $0xffff, v12  }
0xcc: {  	v7 =	vmul.f32 v10, v7;
	[tilespmem:v5+s22+$0x0] =	vst.idx.add.f32.msk $0xffff, v9  }
0xcd: {  	[tilespmem:v3+s21+$0x0] =	vst.idx.add.f32.msk $0xffff, v11;
	v5 =	vshll.u32 v4, $0x10  }
0xce: {  	p0 =	seq.s32 s26, $0x13;
	[tilespmem:v3+s22+$0x0] =	vst.idx.add.f32.msk $0xffff, v7;
	v3 =	vand.u32 $0xFFFF0000, v4;
	v4 =	vmul.f32 v5, v6  }
0xcf: {  	[tilespmem:v1+s22+$0x0] =	vst.idx.add.f32.msk $0xffff, v8;
	s0 =	sshrl.u32 @!p0 s28, $0x3;
	v1 =	vmul.f32 v3, v6  }
0xd0: {  	s0 =	sadd.s32 @!p0 $0x7D0, s0;
	[tilespmem:v2+s21+$0x0] =	vst.idx.add.f32.msk $0xffff, v4  }
0xd1: {  	s28 =	simm.s32 @!p0 $0x0;
	s29 =	simm.s32 @!p0 $0xED00;
	s1 =	sadd.s32 @!p0 s4, s0;
	[tilespmem:v2+s22+$0x0] =	vst.idx.add.f32.msk $0xffff, v1  }
0xd2: {  	[tilespmem:s29], [sflag:$0x1] =	stream.linear.gather @!p0 [hbm4b:s1+s28], $0x1F40, $0x38;
	[tilespmem:$0x16B00] =	vst v63  }
0xd3: {  	s0 =	sadd.s32 @!p0 s2, s0;
	s1 =	simm.s32 @!p0 $0x10C80  }
0xd4: {  	[tilespmem:s1], [sflag:$0x1] =	stream.linear.gather @!p0 [hbm4b:s0+s28], $0x1F40, $0x38;
	[tilespmem:$0x16B00] =	vst v63  }
0xd5: {  	_ =	swait.ge [sflag:s23], $0x1F40  }
0xd6: {  	[sflag:s23] =	ssyncset.done $0x0  }
0xd7: {  	[sflag:s23] =	ssyncadd.s32 $0xFFFFE0C0  }
0xd8: {  	_ =	swait.ge [sflag:s23], $0x1F40  }
0xd9: {  	[sflag:s23] =	ssyncset.done $0x0  }
0xda: {  	s31 =	simm.s32 $0x12C20;
	[sflag:s23] =	ssyncadd.s32 $0xFFFFE0C0  }
0xdb: {  	v1 =	vld [tilespmem:s31+$0x10]  }
0xdc: {  	v3 =	vld [tilespmem:s31+$0xFFFFFFE0];
	_ =	sdelay $0x3  }
0xdd: {  	v2 =	vld [tilespmem:s31+$0xFFFFFFF0];
	v5 =	vand.u32 $0x3FFF, v1  }
0xde: {  	v7 =	vand.u32 $0x3FFF, v3  }
0xdf: {  	v4 =	vld [tilespmem:s31+$0x0]  }
0xe0: {  	s1 =	simm.s32 $0x14BA0  }
0xe1: {  	v10 =	vld [tilespmem:s1+$0x10]  }
0xe2: {  	v6 =	vand.u32 $0x3FFF, v2;
	v9 =	vld.idx.msk [tilespmem:v5+s3+$0x0], $0xffff  }
0xe3: {  	v53 =	vld.idx.msk [tilespmem:v7+s3+$0x0], $0xffff  }
0xe4: {  	v14 =	vld [tilespmem:s1+$0xFFFFFFE0];
	v8 =	vand.u32 $0x3FFF, v4  }
0xe5: {  	v16 =	vld [tilespmem:s1+$0xFFFFFFF0];
	v54 =	vshrl.u32 v1, $0xE  }
0xe6: {  	v17 =	vld [tilespmem:s1+$0x0];
	v3 =	vshrl.u32 v3, $0xE  }
0xe7: {  	s28 =	simm.s32 $0x14BE0;
	v11 =	vld.idx.msk [tilespmem:v6+s3+$0x0], $0xffff;
	v1 =	vshll.u32 v9, $0x10  }
0xe8: {  	v62 =	vld [tilespmem:s28+$0x10];
	v18 =	vshll.u32 v53, $0x10;
	v1 =	vmul.f32 v1, v10  }
0xe9: {  	v15 =	vld.idx.msk [tilespmem:v8+s3+$0x0], $0xffff;
	v9 =	vand.u32 $0xFFFF0000, v9;
	v18 =	vmul.f32 v18, v14  }
0xea: {  	v2 =	vshrl.u32 v2, $0xE;
	v9 =	vmul.f32 v9, v10;
	[tilespmem:v54+s19+$0x0] =	vst.idx.add.f32.msk $0xffff, v1  }
0xeb: {  	v12 =	vand.u32 $0xFFFF0000, v53;
	[tilespmem:v3+s19+$0x0] =	vst.idx.add.f32.msk $0xffff, v18  }
0xec: {  	v1 =	vshrl.u32 v4, $0xE;
	v4 =	vshll.u32 v11, $0x10;
	[tilespmem:v54+s20+$0x0] =	vst.idx.add.f32.msk $0xffff, v9;
	v9 =	vmul.f32 v12, v14  }
0xed: {  	v11 =	vand.u32 $0xFFFF0000, v11;
	v4 =	vmul.f32 v4, v16;
	v5 =	vld.idx.msk [tilespmem:v5+s12+$0x0], $0xffff  }
0xee: {  	v55 =	vshll.u32 v15, $0x10;
	v11 =	vmul.f32 v11, v16;
	[tilespmem:v3+s20+$0x0] =	vst.idx.add.f32.msk $0xffff, v9  }
0xef: {  	v12 =	vmul.f32 v55, v17;
	v9 =	vand.u32 $0xFFFF0000, v15;
	[tilespmem:v2+s19+$0x0] =	vst.idx.add.f32.msk $0xffff, v4  }
0xf0: {  	v4 =	vmul.f32 v9, v17;
	[tilespmem:v2+s20+$0x0] =	vst.idx.add.f32.msk $0xffff, v11  }
0xf1: {  	[tilespmem:v1+s19+$0x0] =	vst.idx.add.f32.msk $0xffff, v12  }
0xf2: {  	s31 =	simm.s32 $0x12C60;
	[tilespmem:v1+s20+$0x0] =	vst.idx.add.f32.msk $0xffff, v4;
	v4 =	vshll.u32 v5, $0x10  }
0xf3: {  	v9 =	vld [tilespmem:s31+$0xFFFFFFF0];
	v4 =	vmul.f32 v4, v10  }
0xf4: {  	v6 =	vld.idx.msk [tilespmem:v6+s12+$0x0], $0xffff  }
0xf5: {  	v5 =	vand.u32 $0xFFFF0000, v5;
	[tilespmem:v54+s21+$0x0] =	vst.idx.add.f32.msk $0xffff, v4  }
0xf6: {  	v4 =	vmul.f32 v5, v10;
	v5 =	vld [tilespmem:s31+$0x10]  }
0xf7: {  	v10 =	vld [tilespmem:s31+$0xFFFFFFE0]  }
0xf8: {  	v7 =	vld.idx.msk [tilespmem:v7+s12+$0x0], $0xffff  }
0xf9: {  	v11 =	vld [tilespmem:s31+$0x0];
	v56 =	vshll.u32 v6, $0x10  }
0xfa: {  	v57 =	vld.idx.msk [tilespmem:v8+s12+$0x0], $0xffff;
	v59 =	vand.u32 $0x3FFF, v9;
	v8 =	vmul.f32 v56, v16  }
0xfb: {  	v6 =	vand.u32 $0xFFFF0000, v6;
	[tilespmem:v54+s22+$0x0] =	vst.idx.add.f32.msk $0xffff, v4;
	v58 =	vand.u32 $0x3FFF, v5  }
0xfc: {  	v6 =	vmul.f32 v6, v16;
	[tilespmem:v2+s21+$0x0] =	vst.idx.add.f32.msk $0xffff, v8;
	v60 =	vand.u32 $0x3FFF, v10  }
0xfd: {  	v8 =	vld [tilespmem:s28+$0xFFFFFFE0]  }
0xfe: {  	[tilespmem:v2+s22+$0x0] =	vst.idx.add.f32.msk $0xffff, v6  }
0xff: {  	v4 =	vshll.u32 v7, $0x10;
	v61 =	vld.idx.msk [tilespmem:v59+s3+$0x0], $0xffff  }
0x100: {  	v7 =	vand.u32 $0xFFFF0000, v7;
	v4 =	vmul.f32 v4, v14;
	v2 =	vld.idx.msk [tilespmem:v58+s3+$0x0], $0xffff  }
0x101: {  	v7 =	vmul.f32 v7, v14;
	v19 =	vld.idx.msk [tilespmem:v60+s3+$0x0], $0xffff  }
0x102: {  	[tilespmem:v3+s21+$0x0] =	vst.idx.add.f32.msk $0xffff, v4;
	v4 =	vand.u32 $0x3FFF, v11  }
0x103: {  	v21 =	vshrl.u32 v5, $0xE;
	[tilespmem:v3+s22+$0x0] =	vst.idx.add.f32.msk $0xffff, v7;
	v3 =	vshll.u32 v57, $0x10  }
0x104: {  	v6 =	vld [tilespmem:s28+$0x0];
	v5 =	vshrl.u32 v10, $0xE;
	v3 =	vmul.f32 v3, v17  }
0x105: {  	v7 =	vld [tilespmem:s28+$0xFFFFFFF0];
	v22 =	vshll.u32 v2, $0x10  }
0x106: {  	[tilespmem:v1+s21+$0x0] =	vst.idx.add.f32.msk $0xffff, v3;
	v3 =	vshrl.u32 v9, $0xE;
	v9 =	vshll.u32 v19, $0x10;
	v10 =	vmul.f32 v22, v62  }
0x107: {  	v20 =	vld.idx.msk [tilespmem:v4+s3+$0x0], $0xffff;
	v2 =	vand.u32 $0xFFFF0000, v2;
	v9 =	vmul.f32 v9, v8  }
0x108: {  	v2 =	vmul.f32 v2, v62;
	[tilespmem:v21+s19+$0x0] =	vst.idx.add.f32.msk $0xffff, v10  }
0x109: {  	v10 =	vand.u32 $0xFFFF0000, v19;
	[tilespmem:v5+s19+$0x0] =	vst.idx.add.f32.msk $0xffff, v9  }
0x10a: {  	[tilespmem:v21+s20+$0x0] =	vst.idx.add.f32.msk $0xffff, v2;
	v2 =	vshrl.u32 v11, $0xE;
	v11 =	vshll.u32 v61, $0x10;
	v10 =	vmul.f32 v10, v8  }
0x10b: {  	v14 =	vld.idx.msk [tilespmem:v58+s12+$0x0], $0xffff;
	v11 =	vmul.f32 v11, v7  }
0x10c: {  	v16 =	vand.u32 $0xFFFF0000, v61;
	[tilespmem:v5+s20+$0x0] =	vst.idx.add.f32.msk $0xffff, v10  }
0x10d: {  	v16 =	vmul.f32 v16, v7;
	v9 =	vshll.u32 v20, $0x10;
	[tilespmem:v3+s19+$0x0] =	vst.idx.add.f32.msk $0xffff, v11  }
0x10e: {  	v9 =	vmul.f32 v9, v6;
	v10 =	vand.u32 $0xFFFF0000, v20;
	v11 =	vld.idx.msk [tilespmem:v60+s12+$0x0], $0xffff  }
0x10f: {  	v10 =	vmul.f32 v10, v6;
	[tilespmem:v3+s20+$0x0] =	vst.idx.add.f32.msk $0xffff, v16  }
0x110: {  	[tilespmem:v2+s19+$0x0] =	vst.idx.add.f32.msk $0xffff, v9;
	v9 =	vshll.u32 v14, $0x10  }
0x111: {  	[tilespmem:v2+s20+$0x0] =	vst.idx.add.f32.msk $0xffff, v10;
	v14 =	vand.u32 $0xFFFF0000, v14;
	v9 =	vmul.f32 v9, v62  }
0x112: {  	v10 =	vld.idx.msk [tilespmem:v59+s12+$0x0], $0xffff;
	v63 =	vmul.f32 v14, v62  }
0x113: {  	v13 =	vand.u32 $0xFFFF0000, v57;
	[tilespmem:v21+s21+$0x0] =	vst.idx.add.f32.msk $0xffff, v9  }
0x114: {  	s30 =	simm.s32 $0x12CA0;
	s29 =	simm.s32 $0x4;
	v9 =	vmul.f32 v13, v17;
	[tilespmem:v21+s22+$0x0] =	vst.idx.add.f32.msk $0xffff, v63  }
.LBB2_7:
0x115: {  	v12 =	vld [tilespmem:s30+$0x10]  }
0x116: {  	v13 =	vld [tilespmem:s30+$0xFFFFFFF0]  }
0x117: {  	s29 =	sadd.s32 $0x4, s29;
	v15 =	vshll.u32 v11, $0x10;
	v11 =	vand.u32 $0xFFFF0000, v11;
	v14 =	vld [tilespmem:s30+$0x0]  }
0x118: {  	p0 =	slt.u32 s29, $0x1F0;
	v15 =	vmul.f32 v15, v8;
	v17 =	vshll.u32 v10, $0x10;
	v10 =	vand.u32 $0xFFFF0000, v10;
	v16 =	vld [tilespmem:s30+$0xFFFFFFE0]  }
0x119: {  	v8 =	vmul.f32 v11, v8;
	v11 =	vmul.f32 v17, v7;
	v17 =	vld.idx.msk [tilespmem:v4+s12+$0x0], $0xffff  }
0x11a: {  	v7 =	vmul.f32 v10, v7;
	v18 =	vand.u32 $0x3FFF, v12;
	[tilespmem:v5+s21+$0x0] =	vst.idx.add.f32.msk $0xffff, v15  }
0x11b: {  	v10 =	vshrl.u32 v13, $0xE;
	v13 =	vand.u32 $0x3FFF, v13;
	[tilespmem:v5+s22+$0x0] =	vst.idx.add.f32.msk $0xffff, v8  }
0x11c: {  	v8 =	vshrl.u32 v14, $0xE;
	v4 =	vand.u32 $0x3FFF, v14;
	[tilespmem:v3+s21+$0x0] =	vst.idx.add.f32.msk $0xffff, v11  }
0x11d: {  	v5 =	vshrl.u32 v16, $0xE;
	v11 =	vand.u32 $0x3FFF, v16;
	[tilespmem:v3+s22+$0x0] =	vst.idx.add.f32.msk $0xffff, v7;
	v3 =	vmov v10  }
0x11e: {  	[tilespmem:v1+s22+$0x0] =	vst.idx.add.f32.msk $0xffff, v9;
	v1 =	vmov v2;
	v2 =	vmov v8  }
0x11f: {  	v7 =	vshll.u32 v17, $0x10;
	v8 =	vand.u32 $0xFFFF0000, v17;
	v10 =	vld.idx.msk [tilespmem:v18+s3+$0x0], $0xffff  }
0x120: {  	s28 =	sadd.s32 $0x40, s28;
	v15 =	vmul.f32 v7, v6;
	v9 =	vmul.f32 v8, v6;
	v14 =	vld.idx.msk [tilespmem:v13+s3+$0x0], $0xffff  }
0x121: {  	v16 =	vld [tilespmem:s28+$0x10]  }
0x122: {  	v17 =	vld.idx.msk [tilespmem:v11+s3+$0x0], $0xffff  }
0x123: {  	v12 =	vshrl.u32 v12, $0xE;
	v19 =	vld.idx.msk [tilespmem:v4+s3+$0x0], $0xffff  }
0x124: {  	v8 =	vld [tilespmem:s28+$0xFFFFFFE0]  }
0x125: {  	v20 =	vshll.u32 v10, $0x10;
	v7 =	vld [tilespmem:s28+$0xFFFFFFF0]  }
0x126: {  	v10 =	vand.u32 $0xFFFF0000, v10;
	v21 =	vshll.u32 v14, $0x10;
	v6 =	vld [tilespmem:s28+$0x0];
	v20 =	vmul.f32 v20, v16  }
0x127: {  	v14 =	vand.u32 $0xFFFF0000, v14;
	v10 =	vmul.f32 v10, v16;
	[tilespmem:v1+s21+$0x0] =	vst.idx.add.f32.msk $0xffff, v15  }
0x128: {  	v15 =	vshll.u32 v17, $0x10;
	v17 =	vand.u32 $0xFFFF0000, v17;
	[tilespmem:v12+s19+$0x0] =	vst.idx.add.f32.msk $0xffff, v20  }
0x129: {  	v20 =	vshll.u32 v19, $0x10;
	v19 =	vand.u32 $0xFFFF0000, v19;
	v15 =	vmul.f32 v15, v8;
	[tilespmem:v12+s20+$0x0] =	vst.idx.add.f32.msk $0xffff, v10  }
0x12a: {  	v10 =	vmul.f32 v17, v8;
	v17 =	vmul.f32 v21, v7;
	v18 =	vld.idx.msk [tilespmem:v18+s12+$0x0], $0xffff  }
0x12b: {  	v14 =	vmul.f32 v14, v7;
	[tilespmem:v5+s19+$0x0] =	vst.idx.add.f32.msk $0xffff, v15;
	v15 =	vmul.f32 v20, v6  }
0x12c: {  	[tilespmem:v5+s20+$0x0] =	vst.idx.add.f32.msk $0xffff, v10;
	v10 =	vmul.f32 v19, v6  }
0x12d: {  	[tilespmem:v3+s19+$0x0] =	vst.idx.add.f32.msk $0xffff, v17  }
0x12e: {  	[tilespmem:v3+s20+$0x0] =	vst.idx.add.f32.msk $0xffff, v14  }
0x12f: {  	[tilespmem:v2+s19+$0x0] =	vst.idx.add.f32.msk $0xffff, v15  }
.Ltmp2:
0x130: {  	[tilespmem:v2+s20+$0x0] =	vst.idx.add.f32.msk $0xffff, v10;
	v10 =	vshll.u32 v18, $0x10;
	(pc) =	sbr.rel @p0 .LBB2_7-.Ltmp2, $4  }
0x131: {  	v14 =	vand.u32 $0xFFFF0000, v18;
	v11 =	vld.idx.msk [tilespmem:v11+s12+$0x0], $0xffff;
	v15 =	vmul.f32 v10, v16  }
0x132: {  	v10 =	vld.idx.msk [tilespmem:v13+s12+$0x0], $0xffff;
	v13 =	vmul.f32 v14, v16  }
0x133: {  	[tilespmem:v12+s21+$0x0] =	vst.idx.add.f32.msk $0xffff, v15  }
0x134: {  	s30 =	sadd.s32 $0x40, s30;
	[tilespmem:v12+s22+$0x0] =	vst.idx.add.f32.msk $0xffff, v13  }
0x135: {  	_ =	sdelay $0x3  }
0x136: {  	v4 =	vld.idx.msk [tilespmem:v4+s12+$0x0], $0xffff  }
0x137: {  	v12 =	vshll.u32 v11, $0x10  }
0x138: {  	v12 =	vmul.f32 v12, v8;
	v13 =	vshll.u32 v10, $0x10  }
0x139: {  	[tilespmem:v1+s22+$0x0] =	vst.idx.add.f32.msk $0xffff, v9;
	s26 =	sadd.s32 $0x1, s26;
	v59 =	vand.u32 $0xFFFF0000, v10;
	v60 =	vmul.f32 v13, v7  }
0x13a: {  	v57 =	vand.u32 $0xFFFF0000, v11;
	p0 =	sne.s32 s26, $0x14;
	v61 =	vmul.f32 v59, v7;
	[tilespmem:v5+s21+$0x0] =	vst.idx.add.f32.msk $0xffff, v12  }
.Ltmp3:
0x13b: {  	v58 =	vmul.f32 v57, v8;
	[tilespmem:v3+s21+$0x0] =	vst.idx.add.f32.msk $0xffff, v60;
	v62 =	vshll.u32 v4, $0x10;
	(pc) =	sbr.rel @p0 .LBB2_4-.Ltmp3, $4  }
0x13c: {  	[tilespmem:v3+s22+$0x0] =	vst.idx.add.f32.msk $0xffff, v61;
	v3 =	vand.u32 $0xFFFF0000, v4;
	v63 =	vmul.f32 v62, v6  }
0x13d: {  	[tilespmem:v5+s22+$0x0] =	vst.idx.add.f32.msk $0xffff, v58;
	v1 =	vmul.f32 v3, v6  }
0x13e: {  	[tilespmem:v2+s21+$0x0] =	vst.idx.add.f32.msk $0xffff, v63  }
0x13f: {  	[tilespmem:v2+s22+$0x0] =	vst.idx.add.f32.msk $0xffff, v1  }
0x140: {  	[hbm4b:s7+s3] =	stream.linear.scatter [tilespmem:s19], [sflag:$0x4], $0x2710, $0x38;
	[tilespmem:$0x16B00] =	vst v63  }
0x141: {  	_ =	swait.ge [sflag:s24], $0x2710  }
0x142: {  	[sflag:s24] =	ssyncset.done $0x0  }
0x143: {  	[sflag:s24] =	ssyncadd.s32 $0xFFFFD8F0  }
0x144: {  	[hbm4b:s8+s3] =	stream.linear.scatter [tilespmem:s20], [sflag:$0x4], $0x2710, $0x38;
	[tilespmem:$0x16B00] =	vst v63  }
0x145: {  	_ =	swait.ge [sflag:s24], $0x2710  }
0x146: {  	[sflag:s24] =	ssyncset.done $0x0  }
0x147: {  	[sflag:s24] =	ssyncadd.s32 $0xFFFFD8F0  }
0x148: {  	[hbm4b:s9+s3] =	stream.linear.scatter [tilespmem:s21], [sflag:$0x4], $0x2710, $0x38;
	[tilespmem:$0x16B00] =	vst v63  }
0x149: {  	s25 =	sadd.s32 $0x1, s25;
	_ =	swait.ge [sflag:s24], $0x2710  }
0x14a: {  	p0 =	sne.s32 s25, s11;
	[sflag:s24] =	ssyncset.done $0x0  }
.Ltmp4:
0x14b: {  	[sflag:s24] =	ssyncadd.s32 $0xFFFFD8F0;
	(pc) =	sbr.rel @p0 .LBB2_1-.Ltmp4, $4  }
0x14c: {  	[hbm4b:s10+s3] =	stream.linear.scatter [tilespmem:s22], [sflag:$0x4], $0x2710, $0x38;
	[tilespmem:$0x16B00] =	vst v63  }
0x14d: {  	_ =	swait.ge [sflag:s24], $0x2710  }
0x14e: {  	[sflag:s24] =	ssyncset.done $0x0  }
0x14f: {  	[sflag:s24] =	ssyncadd.s32 $0xFFFFD8F0  }
0x150: {  	_ =	sfence.sel $0x180000  }
0x151: {  	[bflag:$0x0] =	sbarrier.arrive $0xFFFF  }
0x152: {  	_ =	strace $0x9000004A  }
0x153: {  	s0 =	stileid.u32;
	[bflag:$0x2] =	sbarrier.arrive $0xFFFF  }
0x154: {  	p0 =	sne.s32 s0, $0x0;
	s0 =	rddreg [dreg:$0x3]  }
0x155: {  	s0 =	sadd.s32 @!p0 $0x100000, s0  }
0x156: {  	[sflag:s0] =	ssyncadd.tile.s32 @!p0 $0x1;
	_ =	shalt  }
.Lfunc_end2:
_tile_overlayer_lowered:
.L_overlay_start_2:
0x157: {  	(tag) =	ssettag $0x2  }
0x158: {  	s0 =	rddreg [dreg:$0x0];
	s2 =	stileid.u32  }
0x159: {  	s1 =	rddreg [dreg:$0x1];
	p0 =	sne.s32 s2, $0x0  }
0x15a: {  	s3 =	rddreg [dreg:$0x2];
	[bflag:$0x3] =	sbarrier.arrive $0xFFFF;
	s2 =	simm.s32 @!p0 $0x1C04  }
0x15b: {  	[timem:s3], [sflag:s2] =	dma.local @!p0 [hbm:s0], s1  }
0x15c: {  	s0 =	simm.s32 @!p0 $0x4  }
0x15d: {  	_ =	swait.ge @!p0 [sflag:s0], s1  }
0x15e: {  	s1 =	ssub.s32 @!p0 $0x0, s1;
	[sflag:s0] =	ssyncset.done @!p0 $0x0  }
0x15f: {  	[sflag:s0] =	ssyncadd.s32 @!p0 s1  }
0x160: {  	[bflag:$0x3] =	sbarrier.arrive $0xFFFF  }
0x161: {  	_ =	shalt  }

</sc_bundles>
